<compile_context>
chip_gen: v7x
topology: tpu7x:2x2x1
jax: 0.10.2.dev20260603
libtpu: 0.0.44.dev20260713+nightly
codegen_flags: <defaults>
</compile_context>

<pallas_src>
import functools

import jax
import jax.numpy as jnp
from jax import lax
from jax.experimental import pallas as pl
from jax.experimental.pallas import tpu as pltpu
from jax.experimental.pallas import tpu_sc as plsc

D = 64
G = 200
NBUF = 4


@functools.cache
def _make_format_kernel(V):
    info = plsc.get_sparse_core_info()
    NC, NS = info.num_cores, info.num_subcores
    NW = NC * NS
    n_blocks = V // 128
    tail = V - n_blocks * 128
    rounds = (n_blocks + NW - 1) // NW
    rounds += rounds % 2
    mesh = plsc.VectorSubcoreMesh(core_axis_name="c", subcore_axis_name="s")

    @functools.partial(
        pl.kernel,
        out_type=jax.ShapeDtypeStruct((V, 2 * D), jnp.float32),
        mesh=mesh,
        scratch_types=(
            [pltpu.VMEM((D, 128), jnp.float32) for _ in range(2)]
            + [pltpu.VMEM((128, 2 * D), jnp.float32) for _ in range(2)]
            + [pltpu.VMEM((D, 64), jnp.float32)]
            + [pltpu.SemaphoreType.DMA for _ in range(2)]
            + [pltpu.SemaphoreType.DMA for _ in range(2)]
        ),
        compiler_params=pltpu.CompilerParams(
            use_tc_tiling_on_sc=True, needs_layout_passes=False
        ),
    )
    def k(tt_hbm, scr_hbm, bin0, bin1, bout0, bout1, btail, si0, si1, so0, so1):
        bins = (bin0, bin1)
        bouts = (bout0, bout1)
        sin = (si0, si1)
        sout = (so0, so1)
        wid = lax.axis_index("s") * NC + lax.axis_index("c")

        def col_start(t):
            bb = t * NW + wid
            return bb, bb * 128

        iotas = [lax.iota(jnp.int32, 16) + 16 * g for g in range(8)]

        def transpose(bin_ref, bout_ref):
            @plsc.parallel_loop(0, D, unroll=16)
            def body(d):
                drot = (jnp.full((16,), 0, jnp.int32) + d + iotas[0]) & (D - 1)
                for g in range(8):
                    v = plsc.load_gather(bin_ref, [drot, iotas[g]])
                    plsc.store_scatter(bout_ref, [iotas[g], drot], v)

        def start_in(t, buf):
            bb, cs = col_start(t)
            @pl.when(bb < n_blocks)
            def _():
                pltpu.async_copy(
                    tt_hbm.at[:, pl.ds(cs, 128)], bins[buf], sin[buf]
                )

        def wait_in(t, buf):
            bb, cs = col_start(t)
            @pl.when(bb < n_blocks)
            def _():
                pltpu.make_async_copy(
                    tt_hbm.at[:, pl.ds(cs, 128)], bins[buf], sin[buf]
                ).wait()

        def start_out(t, buf):
            bb, cs = col_start(t)
            @pl.when(bb < n_blocks)
            def _():
                pltpu.async_copy(
                    bouts[buf], scr_hbm.at[pl.ds(cs, 128)], sout[buf]
                )

        def wait_out(t, buf):
            bb, cs = col_start(t)
            @pl.when(bb < n_blocks)
            def _():
                pltpu.make_async_copy(
                    bouts[buf], scr_hbm.at[pl.ds(cs, 128)], sout[buf]
                ).wait()

        start_in(0, 0)

        def outer(u, carry):
            for p in range(2):
                t = u * 2 + p
                wait_in(t, p)
                start_in(t + 1, 1 - p)

                @pl.when(t >= 2)
                def _():
                    wait_out(t - 2, p)

                bb, _ = col_start(t)

                @pl.when(bb < n_blocks)
                def _():
                    transpose(bins[p], bouts[p])
                start_out(t, p)
            return carry

        assert rounds % 2 == 0
        lax.fori_loop(0, rounds // 2, outer, 0)
        wait_out(rounds - 2, 0)
        wait_out(rounds - 1, 1)

        if tail:
            @pl.when(wid == 0)
            def _():
                pltpu.sync_copy(
                    tt_hbm.at[:, pl.ds(n_blocks * 128, tail)], btail
                )
                def tbody(d, carry):
                    dvec = jnp.full((16,), 0, jnp.int32) + d
                    for g in range(tail // 16):
                        v = plsc.load_gather(btail, [dvec, iotas[g]])
                        plsc.store_scatter(bout0, [iotas[g], dvec], v)
                    return carry
                lax.fori_loop(0, D, tbody, 0)
                pltpu.sync_copy(
                    bout0.at[pl.ds(0, tail)],
                    scr_hbm.at[pl.ds(n_blocks * 128, tail)],
                )

    return k


@functools.cache
def _make_gather_kernel(B, V):
    info = plsc.get_sparse_core_info()
    NC, NS = info.num_cores, info.num_subcores
    NW = NC * NS
    bpw = B // NW
    n_chunks = bpw // G
    assert bpw % G == 0 and n_chunks % NBUF == 0
    mesh = plsc.VectorSubcoreMesh(core_axis_name="c", subcore_axis_name="s")

    @functools.partial(
        pl.kernel,
        out_type=jax.ShapeDtypeStruct((B, 2 * D), jnp.float32),
        mesh=mesh,
        scratch_types=(
            [pltpu.VMEM((bpw,), jnp.int32)]
            + [pltpu.VMEM((G, 2 * D), jnp.float32) for _ in range(NBUF)]
            + [pltpu.SemaphoreType.DMA for _ in range(2 * NBUF)]
        ),
        compiler_params=pltpu.CompilerParams(use_tc_tiling_on_sc=True),
    )
    def k(idx_hbm, scr_hbm, out_hbm, idx_v, *bufs_and_sems):
        bufs = bufs_and_sems[:NBUF]
        sems = bufs_and_sems[NBUF:2 * NBUF]
        wsems = bufs_and_sems[2 * NBUF:]
        wid = lax.axis_index("s") * NC + lax.axis_index("c")
        base = wid * bpw
        pltpu.sync_copy(idx_hbm.at[pl.ds(base, bpw)], idx_v)

        def outer(t, carry):
            g0 = t * NBUF
            for b in range(NBUF):
                @pl.when(t > 0)
                def _():
                    pltpu.make_async_copy(
                        bufs[b],
                        out_hbm.at[pl.ds(base + (g0 - NBUF + b) * G, G)],
                        wsems[b],
                    ).wait()
                pltpu.async_copy(
                    scr_hbm.at[idx_v.at[pl.ds((g0 + b) * G, G)]],
                    bufs[b], sems[b],
                )
            for b in range(NBUF):
                pltpu.make_async_copy(
                    scr_hbm.at[idx_v.at[pl.ds((g0 + b) * G, G)]],
                    bufs[b], sems[b],
                ).wait()
                pltpu.async_copy(
                    bufs[b], out_hbm.at[pl.ds(base + (g0 + b) * G, G)],
                    wsems[b],
                )
            return carry

        T = n_chunks // NBUF
        lax.fori_loop(0, T, outer, 0)
        for b in range(NBUF):
            pltpu.make_async_copy(
                bufs[b],
                out_hbm.at[pl.ds(base + (n_chunks - NBUF + b) * G, G)],
                wsems[b],
            ).wait()

    return k


def kernel(x, table):
    R, C = x.shape
    V, Dd = table.shape
    B = R * C
    xf = x.reshape(B)
    scratch = _make_format_kernel(V)(table.T)
    out = _make_gather_kernel(B, V)(xf, scratch)
    return out[:, :Dd].reshape(R, C, Dd)

# --- scband reference (transcript-rebuilt; emitter-appended) ---
"""Pipeline reference for scband-embedding-37245956391364 (READ-ONLY COPY).

The authoritative reference and input builder live on the scoring server;
editing this copy changes nothing except your own understanding.
"""

import jax, jax.numpy as jnp
import numpy as np

VOCAB = 1000000
EMBED_DIM = 64

def setup_inputs(seed: int = 0) -> dict:
    key = jax.random.key(seed)
    k1, k2 = jax.random.split(key)
    x = jax.random.randint(k1, (4096, 200), 0, VOCAB, dtype=jnp.int64 if jax.config.read('jax_enable_x64') else jnp.int32)
    # nn.Embedding default init: N(0, 1)
    table = jax.random.normal(k2, (VOCAB, EMBED_DIM), dtype=jnp.float32)
    return {"x": x, "table": table}

def reference(x, table):
    out = jnp.take(table, x, axis=0)
    return out

if __name__ == "__main__":
    import jax
    _d = setup_inputs()
    print(jax.jit(kernel)(*tuple(_d.values())))

</pallas_src>

<mosaic_0001>
#map = affine_map<(d0, d1) -> (0, 0)>
module attributes {stable_mosaic.version = 14 : i64} {
  func.func @k(%arg0: i32, %arg1: i32, %arg2: memref<64x1000000xf32, #tpu.memory_space<hbm>>, %arg3: memref<1000000x128xf32, #tpu.memory_space<hbm>>, %arg4: memref<64x128xf32, #tpu.memory_space<vmem>>, %arg5: memref<64x128xf32, #tpu.memory_space<vmem>>, %arg6: memref<128x128xf32, #tpu.memory_space<vmem>>, %arg7: memref<128x128xf32, #tpu.memory_space<vmem>>, %arg8: memref<64x64xf32, #tpu.memory_space<vmem>>, %arg9: memref<!tpu.dma_semaphore, #tpu.memory_space<semaphore_mem>>, %arg10: memref<!tpu.dma_semaphore, #tpu.memory_space<semaphore_mem>>, %arg11: memref<!tpu.dma_semaphore, #tpu.memory_space<semaphore_mem>>, %arg12: memref<!tpu.dma_semaphore, #tpu.memory_space<semaphore_mem>>) attributes {dimension_semantics = [#tpu.dimension_semantics<core_parallel>, #tpu.dimension_semantics<subcore_parallel>], iteration_bounds = array<i64: 2, 16>, scalar_prefetch = 0 : i64, scratch_operands = 9 : i64, tpu.core_type = #tpu.core_type<sc_vector_subcore>, window_params = [{transform_indices = #map}, {transform_indices = #map}]} {
    %mul3A = arith.constant 2 : i32
    %mul3A_0 = arith.muli %arg1, %mul3A : i32
    %add3A = arith.addi %mul3A_0, %arg0 : i32
    %iota3A = tpu.iota {dimensions = array<i32: 0>} : vector<16xi32>
    %add3A_1 = arith.constant 0 : i32
    %add3A_2 = vector.broadcast %add3A_1 : i32 to vector<16xi32>
    %add3A_3 = arith.addi %iota3A, %add3A_2 : vector<16xi32>
    %iota3A_4 = tpu.iota {dimensions = array<i32: 0>} : vector<16xi32>
    %add3A_5 = arith.constant 16 : i32
    %add3A_6 = vector.broadcast %add3A_5 : i32 to vector<16xi32>
    %add3A_7 = arith.addi %iota3A_4, %add3A_6 : vector<16xi32>
    %iota3A_8 = tpu.iota {dimensions = array<i32: 0>} : vector<16xi32>
    %add3A_9 = arith.constant 32 : i32
    %add3A_10 = vector.broadcast %add3A_9 : i32 to vector<16xi32>
    %add3A_11 = arith.addi %iota3A_8, %add3A_10 : vector<16xi32>
    %iota3A_12 = tpu.iota {dimensions = array<i32: 0>} : vector<16xi32>
    %add3A_13 = arith.constant 48 : i32
    %add3A_14 = vector.broadcast %add3A_13 : i32 to vector<16xi32>
    %add3A_15 = arith.addi %iota3A_12, %add3A_14 : vector<16xi32>
    %iota3A_16 = tpu.iota {dimensions = array<i32: 0>} : vector<16xi32>
    %add3A_17 = arith.constant 64 : i32
    %add3A_18 = vector.broadcast %add3A_17 : i32 to vector<16xi32>
    %add3A_19 = arith.addi %iota3A_16, %add3A_18 : vector<16xi32>
    %iota3A_20 = tpu.iota {dimensions = array<i32: 0>} : vector<16xi32>
    %add3A_21 = arith.constant 80 : i32
    %add3A_22 = vector.broadcast %add3A_21 : i32 to vector<16xi32>
    %add3A_23 = arith.addi %iota3A_20, %add3A_22 : vector<16xi32>
    %iota3A_24 = tpu.iota {dimensions = array<i32: 0>} : vector<16xi32>
    %add3A_25 = arith.constant 96 : i32
    %add3A_26 = vector.broadcast %add3A_25 : i32 to vector<16xi32>
    %add3A_27 = arith.addi %iota3A_24, %add3A_26 : vector<16xi32>
    %iota3A_28 = tpu.iota {dimensions = array<i32: 0>} : vector<16xi32>
    %add3A_29 = arith.constant 112 : i32
    %add3A_30 = vector.broadcast %add3A_29 : i32 to vector<16xi32>
    %add3A_31 = arith.addi %iota3A_28, %add3A_30 : vector<16xi32>
    %add3A_32 = arith.constant 0 : i32
    %add3A_33 = arith.addi %add3A_32, %add3A : i32
    %mul3A_34 = arith.constant 128 : i32
    %mul3A_35 = arith.muli %add3A_33, %mul3A_34 : i32
    %lt3A = arith.constant 7812 : i32
    %lt3A_36 = arith.cmpi slt, %add3A_33, %lt3A : i32
    %convert_element_type3A = arith.extui %lt3A_36 : i1 to i32
    %cond3A = arith.constant 0 : i32
    %cond3A_37 = arith.cmpi ne, %convert_element_type3A, %cond3A : i32
    scf.if %cond3A_37 {
      %dma_start3A = arith.constant 0 : i32
      %dma_start3A_65 = tpu.memref_slice %arg2[%dma_start3A, %mul3A_35] : memref<64x1000000xf32, #tpu.memory_space<hbm>> -> memref<64x128xf32, #tpu.memory_space<hbm>>
      %dma_start3A_66 = arith.constant 0 : i32
      %dma_start3A_67 = tpu.memref_slice %arg2[%dma_start3A_66, %mul3A_35] : memref<64x1000000xf32, #tpu.memory_space<hbm>> -> memref<64x128xf32, #tpu.memory_space<hbm>>
      tpu.enqueue_dma source(%dma_start3A_67 : memref<64x128xf32, #tpu.memory_space<hbm>>) target(%arg4 : memref<64x128xf32, #tpu.memory_space<vmem>>) target_semaphore(%arg9 : memref<!tpu.dma_semaphore, #tpu.memory_space<semaphore_mem>>)
    } else {
    }
    %scan3A = arith.constant 0 : i32
    %scan3A_38 = arith.constant 0 : i32
    %scan3A_39 = arith.constant 123 : i32
    %scan3A_40 = arith.addi %scan3A_38, %scan3A_39 : i32
    %scan3A_41 = arith.constant 1 : i32
    scf.for %scan3A_65 = %scan3A_38 to %scan3A_40 step %scan3A_41  : i32 {
      %mul3A_66 = arith.constant 2 : i32
      %mul3A_67 = arith.muli %scan3A_65, %mul3A_66 : i32
      %add3A_68 = arith.constant 0 : i32
      %add3A_69 = arith.addi %mul3A_67, %add3A_68 : i32
      %mul3A_70 = arith.constant 32 : i32
      %mul3A_71 = arith.muli %add3A_69, %mul3A_70 : i32
      %add3A_72 = arith.addi %mul3A_71, %add3A : i32
      %mul3A_73 = arith.constant 128 : i32
      %mul3A_74 = arith.muli %add3A_72, %mul3A_73 : i32
      %lt3A_75 = arith.constant 7812 : i32
      %lt3A_76 = arith.cmpi slt, %add3A_72, %lt3A_75 : i32
      %convert_element_type3A_77 = arith.extui %lt3A_76 : i1 to i32
      %cond3A_78 = arith.constant 0 : i32
      %cond3A_79 = arith.cmpi ne, %convert_element_type3A_77, %cond3A_78 : i32
      scf.if %cond3A_79 {
        %dma_wait3A = arith.constant 0 : i32
        %dma_wait3A_167 = tpu.memref_slice %arg2[%dma_wait3A, %mul3A_74] : memref<64x1000000xf32, #tpu.memory_space<hbm>> -> memref<64x128xf32, #tpu.memory_space<hbm>>
        %dma_wait3A_168 = arith.constant 0 : i32
        %dma_wait3A_169 = tpu.memref_slice %arg2[%dma_wait3A_168, %mul3A_74] : memref<64x1000000xf32, #tpu.memory_space<hbm>> -> memref<64x128xf32, #tpu.memory_space<hbm>>
        tpu.wait_dma2 semaphore(%arg9 : memref<!tpu.dma_semaphore, #tpu.memory_space<semaphore_mem>>) src(%dma_wait3A_169 : memref<64x128xf32, #tpu.memory_space<hbm>>) dst(%arg4 : memref<64x128xf32, #tpu.memory_space<vmem>>)
      } else {
      }
      %add3A_80 = arith.constant 1 : i32
      %add3A_81 = arith.addi %add3A_69, %add3A_80 : i32
      %mul3A_82 = arith.constant 32 : i32
      %mul3A_83 = arith.muli %add3A_81, %mul3A_82 : i32
      %add3A_84 = arith.addi %mul3A_83, %add3A : i32
      %mul3A_85 = arith.constant 128 : i32
      %mul3A_86 = arith.muli %add3A_84, %mul3A_85 : i32
      %lt3A_87 = arith.constant 7812 : i32
      %lt3A_88 = arith.cmpi slt, %add3A_84, %lt3A_87 : i32
      %convert_element_type3A_89 = arith.extui %lt3A_88 : i1 to i32
      %cond3A_90 = arith.constant 0 : i32
      %cond3A_91 = arith.cmpi ne, %convert_element_type3A_89, %cond3A_90 : i32
      scf.if %cond3A_91 {
        %dma_start3A = arith.constant 0 : i32
        %dma_start3A_167 = tpu.memref_slice %arg2[%dma_start3A, %mul3A_86] : memref<64x1000000xf32, #tpu.memory_space<hbm>> -> memref<64x128xf32, #tpu.memory_space<hbm>>
        %dma_start3A_168 = arith.constant 0 : i32
        %dma_start3A_169 = tpu.memref_slice %arg2[%dma_start3A_168, %mul3A_86] : memref<64x1000000xf32, #tpu.memory_space<hbm>> -> memref<64x128xf32, #tpu.memory_space<hbm>>
        tpu.enqueue_dma source(%dma_start3A_169 : memref<64x128xf32, #tpu.memory_space<hbm>>) target(%arg5 : memref<64x128xf32, #tpu.memory_space<vmem>>) target_semaphore(%arg10 : memref<!tpu.dma_semaphore, #tpu.memory_space<semaphore_mem>>)
      } else {
      }
      %ge3A = arith.constant 2 : i32
      %ge3A_92 = arith.cmpi sge, %add3A_69, %ge3A : i32
      %convert_element_type3A_93 = arith.extui %ge3A_92 : i1 to i32
      %cond3A_94 = arith.constant 0 : i32
      %cond3A_95 = arith.cmpi ne, %convert_element_type3A_93, %cond3A_94 : i32
      scf.if %cond3A_95 {
        %sub3A = arith.constant 2 : i32
        %sub3A_167 = arith.subi %add3A_69, %sub3A : i32
        %mul3A_168 = arith.constant 32 : i32
        %mul3A_169 = arith.muli %sub3A_167, %mul3A_168 : i32
        %add3A_170 = arith.addi %mul3A_169, %add3A : i32
        %mul3A_171 = arith.constant 128 : i32
        %mul3A_172 = arith.muli %add3A_170, %mul3A_171 : i32
        %lt3A_173 = arith.constant 7812 : i32
        %lt3A_174 = arith.cmpi slt, %add3A_170, %lt3A_173 : i32
        %convert_element_type3A_175 = arith.extui %lt3A_174 : i1 to i32
        %cond3A_176 = arith.constant 0 : i32
        %cond3A_177 = arith.cmpi ne, %convert_element_type3A_175, %cond3A_176 : i32
        scf.if %cond3A_177 {
          %dma_wait3A = arith.constant 0 : i32
          %dma_wait3A_178 = tpu.memref_slice %arg3[%mul3A_172, %dma_wait3A] : memref<1000000x128xf32, #tpu.memory_space<hbm>> -> memref<128x128xf32, #tpu.memory_space<hbm>>
          %dma_wait3A_179 = arith.constant 0 : i32
          %dma_wait3A_180 = tpu.memref_slice %arg3[%mul3A_172, %dma_wait3A_179] : memref<1000000x128xf32, #tpu.memory_space<hbm>> -> memref<128x128xf32, #tpu.memory_space<hbm>>
          tpu.wait_dma2 semaphore(%arg11 : memref<!tpu.dma_semaphore, #tpu.memory_space<semaphore_mem>>) src(%arg6 : memref<128x128xf32, #tpu.memory_space<vmem>>) dst(%dma_wait3A_180 : memref<128x128xf32, #tpu.memory_space<hbm>>)
        } else {
        }
      } else {
      }
      %mul3A_96 = arith.constant 32 : i32
      %mul3A_97 = arith.muli %add3A_69, %mul3A_96 : i32
      %add3A_98 = arith.addi %mul3A_97, %add3A : i32
      %mul3A_99 = arith.constant 128 : i32
      %mul3A_100 = arith.muli %add3A_98, %mul3A_99 : i32
      %lt3A_101 = arith.constant 7812 : i32
      %lt3A_102 = arith.cmpi slt, %add3A_98, %lt3A_101 : i32
      %convert_element_type3A_103 = arith.extui %lt3A_102 : i1 to i32
      %cond3A_104 = arith.constant 0 : i32
      %cond3A_105 = arith.cmpi ne, %convert_element_type3A_103, %cond3A_104 : i32
      scf.if %cond3A_105 {
        %parallel_loop3A = arith.constant 0 : i32
        %parallel_loop3A_167 = arith.constant 64 : i32
        %parallel_loop3A_168 = arith.constant 1 : i32
        scf.for %parallel_loop3A_169 = %parallel_loop3A to %parallel_loop3A_167 step %parallel_loop3A_168  : i32 {
          %parallel_loop3A_170 = arith.constant 0 : i32
          %parallel_loop3A_171 = vector.broadcast %parallel_loop3A_170 : i32 to vector<16xi32>
          %parallel_loop3A_172 = vector.broadcast %parallel_loop3A_169 : i32 to vector<16xi32>
          %parallel_loop3A_173 = arith.addi %parallel_loop3A_171, %parallel_loop3A_172 : vector<16xi32>
          %parallel_loop3A_174 = arith.addi %parallel_loop3A_173, %add3A_3 : vector<16xi32>
          %parallel_loop3A_175 = arith.constant 63 : i32
          %parallel_loop3A_176 = vector.broadcast %parallel_loop3A_175 : i32 to vector<16xi32>
          %parallel_loop3A_177 = arith.andi %parallel_loop3A_174, %parallel_loop3A_176 : vector<16xi32>
          %parallel_loop3A_178 = tpu.vector_load_idx %arg4[%parallel_loop3A_177, %add3A_3] : memref<64x128xf32, #tpu.memory_space<vmem>>[vector<16xi32>, vector<16xi32>], vector<16xf32>,
          tpu.vector_store_idx %arg6[%add3A_3, %parallel_loop3A_177], %parallel_loop3A_178 : memref<128x128xf32, #tpu.memory_space<vmem>>[vector<16xi32>, vector<16xi32>], vector<16xf32>,
          %parallel_loop3A_179 = tpu.vector_load_idx %arg4[%parallel_loop3A_177, %add3A_7] : memref<64x128xf32, #tpu.memory_space<vmem>>[vector<16xi32>, vector<16xi32>], vector<16xf32>,
          tpu.vector_store_idx %arg6[%add3A_7, %parallel_loop3A_177], %parallel_loop3A_179 : memref<128x128xf32, #tpu.memory_space<vmem>>[vector<16xi32>, vector<16xi32>], vector<16xf32>,
          %parallel_loop3A_180 = tpu.vector_load_idx %arg4[%parallel_loop3A_177, %add3A_11] : memref<64x128xf32, #tpu.memory_space<vmem>>[vector<16xi32>, vector<16xi32>], vector<16xf32>,
          tpu.vector_store_idx %arg6[%add3A_11, %parallel_loop3A_177], %parallel_loop3A_180 : memref<128x128xf32, #tpu.memory_space<vmem>>[vector<16xi32>, vector<16xi32>], vector<16xf32>,
          %parallel_loop3A_181 = tpu.vector_load_idx %arg4[%parallel_loop3A_177, %add3A_15] : memref<64x128xf32, #tpu.memory_space<vmem>>[vector<16xi32>, vector<16xi32>], vector<16xf32>,
          tpu.vector_store_idx %arg6[%add3A_15, %parallel_loop3A_177], %parallel_loop3A_181 : memref<128x128xf32, #tpu.memory_space<vmem>>[vector<16xi32>, vector<16xi32>], vector<16xf32>,
          %parallel_loop3A_182 = tpu.vector_load_idx %arg4[%parallel_loop3A_177, %add3A_19] : memref<64x128xf32, #tpu.memory_space<vmem>>[vector<16xi32>, vector<16xi32>], vector<16xf32>,
          tpu.vector_store_idx %arg6[%add3A_19, %parallel_loop3A_177], %parallel_loop3A_182 : memref<128x128xf32, #tpu.memory_space<vmem>>[vector<16xi32>, vector<16xi32>], vector<16xf32>,
          %parallel_loop3A_183 = tpu.vector_load_idx %arg4[%parallel_loop3A_177, %add3A_23] : memref<64x128xf32, #tpu.memory_space<vmem>>[vector<16xi32>, vector<16xi32>], vector<16xf32>,
          tpu.vector_store_idx %arg6[%add3A_23, %parallel_loop3A_177], %parallel_loop3A_183 : memref<128x128xf32, #tpu.memory_space<vmem>>[vector<16xi32>, vector<16xi32>], vector<16xf32>,
          %parallel_loop3A_184 = tpu.vector_load_idx %arg4[%parallel_loop3A_177, %add3A_27] : memref<64x128xf32, #tpu.memory_space<vmem>>[vector<16xi32>, vector<16xi32>], vector<16xf32>,
          tpu.vector_store_idx %arg6[%add3A_27, %parallel_loop3A_177], %parallel_loop3A_184 : memref<128x128xf32, #tpu.memory_space<vmem>>[vector<16xi32>, vector<16xi32>], vector<16xf32>,
          %parallel_loop3A_185 = tpu.vector_load_idx %arg4[%parallel_loop3A_177, %add3A_31] : memref<64x128xf32, #tpu.memory_space<vmem>>[vector<16xi32>, vector<16xi32>], vector<16xf32>,
          tpu.vector_store_idx %arg6[%add3A_31, %parallel_loop3A_177], %parallel_loop3A_185 : memref<128x128xf32, #tpu.memory_space<vmem>>[vector<16xi32>, vector<16xi32>], vector<16xf32>,
        } {sc.loop_unroll_factor = 16 : i64, sc.parallel_access}
      } else {
      }
      %mul3A_106 = arith.constant 32 : i32
      %mul3A_107 = arith.muli %add3A_69, %mul3A_106 : i32
      %add3A_108 = arith.addi %mul3A_107, %add3A : i32
      %mul3A_109 = arith.constant 128 : i32
      %mul3A_110 = arith.muli %add3A_108, %mul3A_109 : i32
      %lt3A_111 = arith.constant 7812 : i32
      %lt3A_112 = arith.cmpi slt, %add3A_108, %lt3A_111 : i32
      %convert_element_type3A_113 = arith.extui %lt3A_112 : i1 to i32
      %cond3A_114 = arith.constant 0 : i32
      %cond3A_115 = arith.cmpi ne, %convert_element_type3A_113, %cond3A_114 : i32
      scf.if %cond3A_115 {
        %dma_start3A = arith.constant 0 : i32
        %dma_start3A_167 = tpu.memref_slice %arg3[%mul3A_110, %dma_start3A] : memref<1000000x128xf32, #tpu.memory_space<hbm>> -> memref<128x128xf32, #tpu.memory_space<hbm>>
        %dma_start3A_168 = arith.constant 0 : i32
        %dma_start3A_169 = tpu.memref_slice %arg3[%mul3A_110, %dma_start3A_168] : memref<1000000x128xf32, #tpu.memory_space<hbm>> -> memref<128x128xf32, #tpu.memory_space<hbm>>
        tpu.enqueue_dma source(%arg6 : memref<128x128xf32, #tpu.memory_space<vmem>>) target(%dma_start3A_169 : memref<128x128xf32, #tpu.memory_space<hbm>>) target_semaphore(%arg11 : memref<!tpu.dma_semaphore, #tpu.memory_space<semaphore_mem>>)
      } else {
      }
      %mul3A_116 = arith.constant 2 : i32
      %mul3A_117 = arith.muli %scan3A_65, %mul3A_116 : i32
      %add3A_118 = arith.constant 1 : i32
      %add3A_119 = arith.addi %mul3A_117, %add3A_118 : i32
      %mul3A_120 = arith.constant 32 : i32
      %mul3A_121 = arith.muli %add3A_119, %mul3A_120 : i32
      %add3A_122 = arith.addi %mul3A_121, %add3A : i32
      %mul3A_123 = arith.constant 128 : i32
      %mul3A_124 = arith.muli %add3A_122, %mul3A_123 : i32
      %lt3A_125 = arith.constant 7812 : i32
      %lt3A_126 = arith.cmpi slt, %add3A_122, %lt3A_125 : i32
      %convert_element_type3A_127 = arith.extui %lt3A_126 : i1 to i32
      %cond3A_128 = arith.constant 0 : i32
      %cond3A_129 = arith.cmpi ne, %convert_element_type3A_127, %cond3A_128 : i32
      scf.if %cond3A_129 {
        %dma_wait3A = arith.constant 0 : i32
        %dma_wait3A_167 = tpu.memref_slice %arg2[%dma_wait3A, %mul3A_124] : memref<64x1000000xf32, #tpu.memory_space<hbm>> -> memref<64x128xf32, #tpu.memory_space<hbm>>
        %dma_wait3A_168 = arith.constant 0 : i32
        %dma_wait3A_169 = tpu.memref_slice %arg2[%dma_wait3A_168, %mul3A_124] : memref<64x1000000xf32, #tpu.memory_space<hbm>> -> memref<64x128xf32, #tpu.memory_space<hbm>>
        tpu.wait_dma2 semaphore(%arg10 : memref<!tpu.dma_semaphore, #tpu.memory_space<semaphore_mem>>) src(%dma_wait3A_169 : memref<64x128xf32, #tpu.memory_space<hbm>>) dst(%arg5 : memref<64x128xf32, #tpu.memory_space<vmem>>)
      } else {
      }
      %add3A_130 = arith.constant 1 : i32
      %add3A_131 = arith.addi %add3A_119, %add3A_130 : i32
      %mul3A_132 = arith.constant 32 : i32
      %mul3A_133 = arith.muli %add3A_131, %mul3A_132 : i32
      %add3A_134 = arith.addi %mul3A_133, %add3A : i32
      %mul3A_135 = arith.constant 128 : i32
      %mul3A_136 = arith.muli %add3A_134, %mul3A_135 : i32
      %lt3A_137 = arith.constant 7812 : i32
      %lt3A_138 = arith.cmpi slt, %add3A_134, %lt3A_137 : i32
      %convert_element_type3A_139 = arith.extui %lt3A_138 : i1 to i32
      %cond3A_140 = arith.constant 0 : i32
      %cond3A_141 = arith.cmpi ne, %convert_element_type3A_139, %cond3A_140 : i32
      scf.if %cond3A_141 {
        %dma_start3A = arith.constant 0 : i32
        %dma_start3A_167 = tpu.memref_slice %arg2[%dma_start3A, %mul3A_136] : memref<64x1000000xf32, #tpu.memory_space<hbm>> -> memref<64x128xf32, #tpu.memory_space<hbm>>
        %dma_start3A_168 = arith.constant 0 : i32
        %dma_start3A_169 = tpu.memref_slice %arg2[%dma_start3A_168, %mul3A_136] : memref<64x1000000xf32, #tpu.memory_space<hbm>> -> memref<64x128xf32, #tpu.memory_space<hbm>>
        tpu.enqueue_dma source(%dma_start3A_169 : memref<64x128xf32, #tpu.memory_space<hbm>>) target(%arg4 : memref<64x128xf32, #tpu.memory_space<vmem>>) target_semaphore(%arg9 : memref<!tpu.dma_semaphore, #tpu.memory_space<semaphore_mem>>)
      } else {
      }
      %ge3A_142 = arith.constant 2 : i32
      %ge3A_143 = arith.cmpi sge, %add3A_119, %ge3A_142 : i32
      %convert_element_type3A_144 = arith.extui %ge3A_143 : i1 to i32
      %cond3A_145 = arith.constant 0 : i32
      %cond3A_146 = arith.cmpi ne, %convert_element_type3A_144, %cond3A_145 : i32
      scf.if %cond3A_146 {
        %sub3A = arith.constant 2 : i32
        %sub3A_167 = arith.subi %add3A_119, %sub3A : i32
        %mul3A_168 = arith.constant 32 : i32
        %mul3A_169 = arith.muli %sub3A_167, %mul3A_168 : i32
        %add3A_170 = arith.addi %mul3A_169, %add3A : i32
        %mul3A_171 = arith.constant 128 : i32
        %mul3A_172 = arith.muli %add3A_170, %mul3A_171 : i32
        %lt3A_173 = arith.constant 7812 : i32
        %lt3A_174 = arith.cmpi slt, %add3A_170, %lt3A_173 : i32
        %convert_element_type3A_175 = arith.extui %lt3A_174 : i1 to i32
        %cond3A_176 = arith.constant 0 : i32
        %cond3A_177 = arith.cmpi ne, %convert_element_type3A_175, %cond3A_176 : i32
        scf.if %cond3A_177 {
          %dma_wait3A = arith.constant 0 : i32
          %dma_wait3A_178 = tpu.memref_slice %arg3[%mul3A_172, %dma_wait3A] : memref<1000000x128xf32, #tpu.memory_space<hbm>> -> memref<128x128xf32, #tpu.memory_space<hbm>>
          %dma_wait3A_179 = arith.constant 0 : i32
          %dma_wait3A_180 = tpu.memref_slice %arg3[%mul3A_172, %dma_wait3A_179] : memref<1000000x128xf32, #tpu.memory_space<hbm>> -> memref<128x128xf32, #tpu.memory_space<hbm>>
          tpu.wait_dma2 semaphore(%arg12 : memref<!tpu.dma_semaphore, #tpu.memory_space<semaphore_mem>>) src(%arg7 : memref<128x128xf32, #tpu.memory_space<vmem>>) dst(%dma_wait3A_180 : memref<128x128xf32, #tpu.memory_space<hbm>>)
        } else {
        }
      } else {
      }
      %mul3A_147 = arith.constant 32 : i32
      %mul3A_148 = arith.muli %add3A_119, %mul3A_147 : i32
      %add3A_149 = arith.addi %mul3A_148, %add3A : i32
      %mul3A_150 = arith.constant 128 : i32
      %mul3A_151 = arith.muli %add3A_149, %mul3A_150 : i32
      %lt3A_152 = arith.constant 7812 : i32
      %lt3A_153 = arith.cmpi slt, %add3A_149, %lt3A_152 : i32
      %convert_element_type3A_154 = arith.extui %lt3A_153 : i1 to i32
      %cond3A_155 = arith.constant 0 : i32
      %cond3A_156 = arith.cmpi ne, %convert_element_type3A_154, %cond3A_155 : i32
      scf.if %cond3A_156 {
        %parallel_loop3A = arith.constant 0 : i32
        %parallel_loop3A_167 = arith.constant 64 : i32
        %parallel_loop3A_168 = arith.constant 1 : i32
        scf.for %parallel_loop3A_169 = %parallel_loop3A to %parallel_loop3A_167 step %parallel_loop3A_168  : i32 {
          %parallel_loop3A_170 = arith.constant 0 : i32
          %parallel_loop3A_171 = vector.broadcast %parallel_loop3A_170 : i32 to vector<16xi32>
          %parallel_loop3A_172 = vector.broadcast %parallel_loop3A_169 : i32 to vector<16xi32>
          %parallel_loop3A_173 = arith.addi %parallel_loop3A_171, %parallel_loop3A_172 : vector<16xi32>
          %parallel_loop3A_174 = arith.addi %parallel_loop3A_173, %add3A_3 : vector<16xi32>
          %parallel_loop3A_175 = arith.constant 63 : i32
          %parallel_loop3A_176 = vector.broadcast %parallel_loop3A_175 : i32 to vector<16xi32>
          %parallel_loop3A_177 = arith.andi %parallel_loop3A_174, %parallel_loop3A_176 : vector<16xi32>
          %parallel_loop3A_178 = tpu.vector_load_idx %arg5[%parallel_loop3A_177, %add3A_3] : memref<64x128xf32, #tpu.memory_space<vmem>>[vector<16xi32>, vector<16xi32>], vector<16xf32>,
          tpu.vector_store_idx %arg7[%add3A_3, %parallel_loop3A_177], %parallel_loop3A_178 : memref<128x128xf32, #tpu.memory_space<vmem>>[vector<16xi32>, vector<16xi32>], vector<16xf32>,
          %parallel_loop3A_179 = tpu.vector_load_idx %arg5[%parallel_loop3A_177, %add3A_7] : memref<64x128xf32, #tpu.memory_space<vmem>>[vector<16xi32>, vector<16xi32>], vector<16xf32>,
          tpu.vector_store_idx %arg7[%add3A_7, %parallel_loop3A_177], %parallel_loop3A_179 : memref<128x128xf32, #tpu.memory_space<vmem>>[vector<16xi32>, vector<16xi32>], vector<16xf32>,
          %parallel_loop3A_180 = tpu.vector_load_idx %arg5[%parallel_loop3A_177, %add3A_11] : memref<64x128xf32, #tpu.memory_space<vmem>>[vector<16xi32>, vector<16xi32>], vector<16xf32>,
          tpu.vector_store_idx %arg7[%add3A_11, %parallel_loop3A_177], %parallel_loop3A_180 : memref<128x128xf32, #tpu.memory_space<vmem>>[vector<16xi32>, vector<16xi32>], vector<16xf32>,
          %parallel_loop3A_181 = tpu.vector_load_idx %arg5[%parallel_loop3A_177, %add3A_15] : memref<64x128xf32, #tpu.memory_space<vmem>>[vector<16xi32>, vector<16xi32>], vector<16xf32>,
          tpu.vector_store_idx %arg7[%add3A_15, %parallel_loop3A_177], %parallel_loop3A_181 : memref<128x128xf32, #tpu.memory_space<vmem>>[vector<16xi32>, vector<16xi32>], vector<16xf32>,
          %parallel_loop3A_182 = tpu.vector_load_idx %arg5[%parallel_loop3A_177, %add3A_19] : memref<64x128xf32, #tpu.memory_space<vmem>>[vector<16xi32>, vector<16xi32>], vector<16xf32>,
          tpu.vector_store_idx %arg7[%add3A_19, %parallel_loop3A_177], %parallel_loop3A_182 : memref<128x128xf32, #tpu.memory_space<vmem>>[vector<16xi32>, vector<16xi32>], vector<16xf32>,
          %parallel_loop3A_183 = tpu.vector_load_idx %arg5[%parallel_loop3A_177, %add3A_23] : memref<64x128xf32, #tpu.memory_space<vmem>>[vector<16xi32>, vector<16xi32>], vector<16xf32>,
          tpu.vector_store_idx %arg7[%add3A_23, %parallel_loop3A_177], %parallel_loop3A_183 : memref<128x128xf32, #tpu.memory_space<vmem>>[vector<16xi32>, vector<16xi32>], vector<16xf32>,
          %parallel_loop3A_184 = tpu.vector_load_idx %arg5[%parallel_loop3A_177, %add3A_27] : memref<64x128xf32, #tpu.memory_space<vmem>>[vector<16xi32>, vector<16xi32>], vector<16xf32>,
          tpu.vector_store_idx %arg7[%add3A_27, %parallel_loop3A_177], %parallel_loop3A_184 : memref<128x128xf32, #tpu.memory_space<vmem>>[vector<16xi32>, vector<16xi32>], vector<16xf32>,
          %parallel_loop3A_185 = tpu.vector_load_idx %arg5[%parallel_loop3A_177, %add3A_31] : memref<64x128xf32, #tpu.memory_space<vmem>>[vector<16xi32>, vector<16xi32>], vector<16xf32>,
          tpu.vector_store_idx %arg7[%add3A_31, %parallel_loop3A_177], %parallel_loop3A_185 : memref<128x128xf32, #tpu.memory_space<vmem>>[vector<16xi32>, vector<16xi32>], vector<16xf32>,
        } {sc.loop_unroll_factor = 16 : i64, sc.parallel_access}
      } else {
      }
      %mul3A_157 = arith.constant 32 : i32
      %mul3A_158 = arith.muli %add3A_119, %mul3A_157 : i32
      %add3A_159 = arith.addi %mul3A_158, %add3A : i32
      %mul3A_160 = arith.constant 128 : i32
      %mul3A_161 = arith.muli %add3A_159, %mul3A_160 : i32
      %lt3A_162 = arith.constant 7812 : i32
      %lt3A_163 = arith.cmpi slt, %add3A_159, %lt3A_162 : i32
      %convert_element_type3A_164 = arith.extui %lt3A_163 : i1 to i32
      %cond3A_165 = arith.constant 0 : i32
      %cond3A_166 = arith.cmpi ne, %convert_element_type3A_164, %cond3A_165 : i32
      scf.if %cond3A_166 {
        %dma_start3A = arith.constant 0 : i32
        %dma_start3A_167 = tpu.memref_slice %arg3[%mul3A_161, %dma_start3A] : memref<1000000x128xf32, #tpu.memory_space<hbm>> -> memref<128x128xf32, #tpu.memory_space<hbm>>
        %dma_start3A_168 = arith.constant 0 : i32
        %dma_start3A_169 = tpu.memref_slice %arg3[%mul3A_161, %dma_start3A_168] : memref<1000000x128xf32, #tpu.memory_space<hbm>> -> memref<128x128xf32, #tpu.memory_space<hbm>>
        tpu.enqueue_dma source(%arg7 : memref<128x128xf32, #tpu.memory_space<vmem>>) target(%dma_start3A_169 : memref<128x128xf32, #tpu.memory_space<hbm>>) target_semaphore(%arg12 : memref<!tpu.dma_semaphore, #tpu.memory_space<semaphore_mem>>)
      } else {
      }
    }
    %scan3A_42 = arith.constant 123 : i32
    %add3A_43 = arith.constant 7808 : i32
    %add3A_44 = arith.addi %add3A_43, %add3A : i32
    %mul3A_45 = arith.constant 128 : i32
    %mul3A_46 = arith.muli %add3A_44, %mul3A_45 : i32
    %lt3A_47 = arith.constant 7812 : i32
    %lt3A_48 = arith.cmpi slt, %add3A_44, %lt3A_47 : i32
    %convert_element_type3A_49 = arith.extui %lt3A_48 : i1 to i32
    %cond3A_50 = arith.constant 0 : i32
    %cond3A_51 = arith.cmpi ne, %convert_element_type3A_49, %cond3A_50 : i32
    scf.if %cond3A_51 {
      %dma_wait3A = arith.constant 0 : i32
      %dma_wait3A_65 = tpu.memref_slice %arg3[%mul3A_46, %dma_wait3A] : memref<1000000x128xf32, #tpu.memory_space<hbm>> -> memref<128x128xf32, #tpu.memory_space<hbm>>
      %dma_wait3A_66 = arith.constant 0 : i32
      %dma_wait3A_67 = tpu.memref_slice %arg3[%mul3A_46, %dma_wait3A_66] : memref<1000000x128xf32, #tpu.memory_space<hbm>> -> memref<128x128xf32, #tpu.memory_space<hbm>>
      tpu.wait_dma2 semaphore(%arg11 : memref<!tpu.dma_semaphore, #tpu.memory_space<semaphore_mem>>) src(%arg6 : memref<128x128xf32, #tpu.memory_space<vmem>>) dst(%dma_wait3A_67 : memref<128x128xf32, #tpu.memory_space<hbm>>)
    } else {
    }
    %add3A_52 = arith.constant 7840 : i32
    %add3A_53 = arith.addi %add3A_52, %add3A : i32
    %mul3A_54 = arith.constant 128 : i32
    %mul3A_55 = arith.muli %add3A_53, %mul3A_54 : i32
    %lt3A_56 = arith.constant 7812 : i32
    %lt3A_57 = arith.cmpi slt, %add3A_53, %lt3A_56 : i32
    %convert_element_type3A_58 = arith.extui %lt3A_57 : i1 to i32
    %cond3A_59 = arith.constant 0 : i32
    %cond3A_60 = arith.cmpi ne, %convert_element_type3A_58, %cond3A_59 : i32
    scf.if %cond3A_60 {
      %dma_wait3A = arith.constant 0 : i32
      %dma_wait3A_65 = tpu.memref_slice %arg3[%mul3A_55, %dma_wait3A] : memref<1000000x128xf32, #tpu.memory_space<hbm>> -> memref<128x128xf32, #tpu.memory_space<hbm>>
      %dma_wait3A_66 = arith.constant 0 : i32
      %dma_wait3A_67 = tpu.memref_slice %arg3[%mul3A_55, %dma_wait3A_66] : memref<1000000x128xf32, #tpu.memory_space<hbm>> -> memref<128x128xf32, #tpu.memory_space<hbm>>
      tpu.wait_dma2 semaphore(%arg12 : memref<!tpu.dma_semaphore, #tpu.memory_space<semaphore_mem>>) src(%arg7 : memref<128x128xf32, #tpu.memory_space<vmem>>) dst(%dma_wait3A_67 : memref<128x128xf32, #tpu.memory_space<hbm>>)
    } else {
    }
    %eq3A = arith.constant 0 : i32
    %eq3A_61 = arith.cmpi eq, %add3A, %eq3A : i32
    %convert_element_type3A_62 = arith.extui %eq3A_61 : i1 to i32
    %cond3A_63 = arith.constant 0 : i32
    %cond3A_64 = arith.cmpi ne, %convert_element_type3A_62, %cond3A_63 : i32
    scf.if %cond3A_64 {
      "tpu.region"() ({
        %run_scoped3A = tpu.sem_alloc : memref<!tpu.dma_semaphore, #tpu.memory_space<semaphore_mem>>
        %dma_start3A = arith.constant 0 : i32
        %dma_start3A_71 = arith.constant 999936 : i32
        %dma_start3A_72 = tpu.memref_slice %arg2[%dma_start3A, %dma_start3A_71] : memref<64x1000000xf32, #tpu.memory_space<hbm>> -> memref<64x64xf32, #tpu.memory_space<hbm>>
        %dma_start3A_73 = arith.constant 0 : i32
        %dma_start3A_74 = arith.constant 999936 : i32
        %dma_start3A_75 = tpu.memref_slice %arg2[%dma_start3A_73, %dma_start3A_74] : memref<64x1000000xf32, #tpu.memory_space<hbm>> -> memref<64x64xf32, #tpu.memory_space<hbm>>
        tpu.enqueue_dma source(%dma_start3A_75 : memref<64x64xf32, #tpu.memory_space<hbm>>) target(%arg8 : memref<64x64xf32, #tpu.memory_space<vmem>>) target_semaphore(%run_scoped3A : memref<!tpu.dma_semaphore, #tpu.memory_space<semaphore_mem>>)
        %dma_wait3A = arith.constant 0 : i32
        %dma_wait3A_76 = arith.constant 999936 : i32
        %dma_wait3A_77 = tpu.memref_slice %arg2[%dma_wait3A, %dma_wait3A_76] : memref<64x1000000xf32, #tpu.memory_space<hbm>> -> memref<64x64xf32, #tpu.memory_space<hbm>>
        %dma_wait3A_78 = arith.constant 0 : i32
        %dma_wait3A_79 = arith.constant 999936 : i32
        %dma_wait3A_80 = tpu.memref_slice %arg2[%dma_wait3A_78, %dma_wait3A_79] : memref<64x1000000xf32, #tpu.memory_space<hbm>> -> memref<64x64xf32, #tpu.memory_space<hbm>>
        tpu.wait_dma2 semaphore(%run_scoped3A : memref<!tpu.dma_semaphore, #tpu.memory_space<semaphore_mem>>) src(%dma_wait3A_80 : memref<64x64xf32, #tpu.memory_space<hbm>>) dst(%arg8 : memref<64x64xf32, #tpu.memory_space<vmem>>)
        tpu.yield
      }) : () -> ()
      %scan3A_65 = arith.constant 0 : i32
      %scan3A_66 = arith.constant 0 : i32
      %scan3A_67 = arith.constant 64 : i32
      %scan3A_68 = arith.addi %scan3A_66, %scan3A_67 : i32
      %scan3A_69 = arith.constant 1 : i32
      scf.for %scan3A_71 = %scan3A_66 to %scan3A_68 step %scan3A_69  : i32 {
        %broadcast_in_dim3A = arith.constant 0 : i32
        %broadcast_in_dim3A_72 = vector.broadcast %broadcast_in_dim3A : i32 to vector<16xi32>
        %add3A_73 = vector.broadcast %scan3A_71 : i32 to vector<16xi32>
        %add3A_74 = arith.addi %broadcast_in_dim3A_72, %add3A_73 : vector<16xi32>
        %gather3A = tpu.vector_load_idx %arg8[%add3A_74, %add3A_3] : memref<64x64xf32, #tpu.memory_space<vmem>>[vector<16xi32>, vector<16xi32>], vector<16xf32>,
        tpu.vector_store_idx %arg6[%add3A_3, %add3A_74], %gather3A : memref<128x128xf32, #tpu.memory_space<vmem>>[vector<16xi32>, vector<16xi32>], vector<16xf32>,
        %gather3A_75 = tpu.vector_load_idx %arg8[%add3A_74, %add3A_7] : memref<64x64xf32, #tpu.memory_space<vmem>>[vector<16xi32>, vector<16xi32>], vector<16xf32>,
        tpu.vector_store_idx %arg6[%add3A_7, %add3A_74], %gather3A_75 : memref<128x128xf32, #tpu.memory_space<vmem>>[vector<16xi32>, vector<16xi32>], vector<16xf32>,
        %gather3A_76 = tpu.vector_load_idx %arg8[%add3A_74, %add3A_11] : memref<64x64xf32, #tpu.memory_space<vmem>>[vector<16xi32>, vector<16xi32>], vector<16xf32>,
        tpu.vector_store_idx %arg6[%add3A_11, %add3A_74], %gather3A_76 : memref<128x128xf32, #tpu.memory_space<vmem>>[vector<16xi32>, vector<16xi32>], vector<16xf32>,
        %gather3A_77 = tpu.vector_load_idx %arg8[%add3A_74, %add3A_15] : memref<64x64xf32, #tpu.memory_space<vmem>>[vector<16xi32>, vector<16xi32>], vector<16xf32>,
        tpu.vector_store_idx %arg6[%add3A_15, %add3A_74], %gather3A_77 : memref<128x128xf32, #tpu.memory_space<vmem>>[vector<16xi32>, vector<16xi32>], vector<16xf32>,
      }
      %scan3A_70 = arith.constant 64 : i32
      "tpu.region"() ({
        %run_scoped3A = tpu.sem_alloc : memref<!tpu.dma_semaphore, #tpu.memory_space<semaphore_mem>>
        %dma_start3A = arith.constant 0 : i32
        %dma_start3A_71 = arith.constant 0 : i32
        %dma_start3A_72 = tpu.memref_slice %arg6[%dma_start3A, %dma_start3A_71] : memref<128x128xf32, #tpu.memory_space<vmem>> -> memref<64x128xf32, #tpu.memory_space<vmem>>
        %dma_start3A_73 = arith.constant 999936 : i32
        %dma_start3A_74 = arith.constant 0 : i32
        %dma_start3A_75 = tpu.memref_slice %arg3[%dma_start3A_73, %dma_start3A_74] : memref<1000000x128xf32, #tpu.memory_space<hbm>> -> memref<64x128xf32, #tpu.memory_space<hbm>>
        %dma_start3A_76 = arith.constant 999936 : i32
        %dma_start3A_77 = arith.constant 0 : i32
        %dma_start3A_78 = tpu.memref_slice %arg3[%dma_start3A_76, %dma_start3A_77] : memref<1000000x128xf32, #tpu.memory_space<hbm>> -> memref<64x128xf32, #tpu.memory_space<hbm>>
        %dma_start3A_79 = arith.constant 0 : i32
        %dma_start3A_80 = arith.constant 0 : i32
        %dma_start3A_81 = tpu.memref_slice %arg6[%dma_start3A_79, %dma_start3A_80] : memref<128x128xf32, #tpu.memory_space<vmem>> -> memref<64x128xf32, #tpu.memory_space<vmem>>
        tpu.enqueue_dma source(%dma_start3A_81 : memref<64x128xf32, #tpu.memory_space<vmem>>) target(%dma_start3A_78 : memref<64x128xf32, #tpu.memory_space<hbm>>) target_semaphore(%run_scoped3A : memref<!tpu.dma_semaphore, #tpu.memory_space<semaphore_mem>>)
        %dma_wait3A = arith.constant 0 : i32
        %dma_wait3A_82 = arith.constant 0 : i32
        %dma_wait3A_83 = tpu.memref_slice %arg6[%dma_wait3A, %dma_wait3A_82] : memref<128x128xf32, #tpu.memory_space<vmem>> -> memref<64x128xf32, #tpu.memory_space<vmem>>
        %dma_wait3A_84 = arith.constant 999936 : i32
        %dma_wait3A_85 = arith.constant 0 : i32
        %dma_wait3A_86 = tpu.memref_slice %arg3[%dma_wait3A_84, %dma_wait3A_85] : memref<1000000x128xf32, #tpu.memory_space<hbm>> -> memref<64x128xf32, #tpu.memory_space<hbm>>
        %dma_wait3A_87 = arith.constant 999936 : i32
        %dma_wait3A_88 = arith.constant 0 : i32
        %dma_wait3A_89 = tpu.memref_slice %arg3[%dma_wait3A_87, %dma_wait3A_88] : memref<1000000x128xf32, #tpu.memory_space<hbm>> -> memref<64x128xf32, #tpu.memory_space<hbm>>
        %dma_wait3A_90 = arith.constant 0 : i32
        %dma_wait3A_91 = arith.constant 0 : i32
        %dma_wait3A_92 = tpu.memref_slice %arg6[%dma_wait3A_90, %dma_wait3A_91] : memref<128x128xf32, #tpu.memory_space<vmem>> -> memref<64x128xf32, #tpu.memory_space<vmem>>
        tpu.wait_dma2 semaphore(%run_scoped3A : memref<!tpu.dma_semaphore, #tpu.memory_space<semaphore_mem>>) src(%dma_wait3A_92 : memref<64x128xf32, #tpu.memory_space<vmem>>) dst(%dma_wait3A_89 : memref<64x128xf32, #tpu.memory_space<hbm>>)
        tpu.yield
      }) : () -> ()
    } else {
    }
    return
  }
}

#map = affine_map<(d0, d1) -> (0)>
#map1 = affine_map<(d0, d1) -> (0, 0)>
module attributes {stable_mosaic.version = 14 : i64} {
  func.func @k(%arg0: i32, %arg1: i32, %arg2: memref<819200xi32, #tpu.memory_space<hbm>>, %arg3: memref<1000000x128xf32, #tpu.memory_space<hbm>>, %arg4: memref<819200x128xf32, #tpu.memory_space<hbm>>, %arg5: memref<25600xi32, #tpu.memory_space<vmem>>, %arg6: memref<200x128xf32, #tpu.memory_space<vmem>>, %arg7: memref<200x128xf32, #tpu.memory_space<vmem>>, %arg8: memref<200x128xf32, #tpu.memory_space<vmem>>, %arg9: memref<200x128xf32, #tpu.memory_space<vmem>>, %arg10: memref<!tpu.dma_semaphore, #tpu.memory_space<semaphore_mem>>, %arg11: memref<!tpu.dma_semaphore, #tpu.memory_space<semaphore_mem>>, %arg12: memref<!tpu.dma_semaphore, #tpu.memory_space<semaphore_mem>>, %arg13: memref<!tpu.dma_semaphore, #tpu.memory_space<semaphore_mem>>, %arg14: memref<!tpu.dma_semaphore, #tpu.memory_space<semaphore_mem>>, %arg15: memref<!tpu.dma_semaphore, #tpu.memory_space<semaphore_mem>>, %arg16: memref<!tpu.dma_semaphore, #tpu.memory_space<semaphore_mem>>, %arg17: memref<!tpu.dma_semaphore, #tpu.memory_space<semaphore_mem>>) attributes {dimension_semantics = [#tpu.dimension_semantics<core_parallel>, #tpu.dimension_semantics<subcore_parallel>], iteration_bounds = array<i64: 2, 16>, scalar_prefetch = 0 : i64, scratch_operands = 13 : i64, tpu.core_type = #tpu.core_type<sc_vector_subcore>, window_params = [{transform_indices = #map}, {transform_indices = #map1}, {transform_indices = #map1}]} {
    %mul3A = arith.constant 2 : i32
    %mul3A_0 = arith.muli %arg1, %mul3A : i32
    %add3A = arith.addi %mul3A_0, %arg0 : i32
    %mul3A_1 = arith.constant 25600 : i32
    %mul3A_2 = arith.muli %add3A, %mul3A_1 : i32
    "tpu.region"() ({
      %run_scoped3A = tpu.sem_alloc : memref<!tpu.dma_semaphore, #tpu.memory_space<semaphore_mem>>
      %dma_start3A = tpu.memref_slice %arg2[%mul3A_2] : memref<819200xi32, #tpu.memory_space<hbm>> -> memref<25600xi32, #tpu.memory_space<hbm>>
      %dma_start3A_31 = tpu.memref_slice %arg2[%mul3A_2] : memref<819200xi32, #tpu.memory_space<hbm>> -> memref<25600xi32, #tpu.memory_space<hbm>>
      tpu.enqueue_dma source(%dma_start3A_31 : memref<25600xi32, #tpu.memory_space<hbm>>) target(%arg5 : memref<25600xi32, #tpu.memory_space<vmem>>) target_semaphore(%run_scoped3A : memref<!tpu.dma_semaphore, #tpu.memory_space<semaphore_mem>>)
      %dma_wait3A_32 = tpu.memref_slice %arg2[%mul3A_2] : memref<819200xi32, #tpu.memory_space<hbm>> -> memref<25600xi32, #tpu.memory_space<hbm>>
      %dma_wait3A_33 = tpu.memref_slice %arg2[%mul3A_2] : memref<819200xi32, #tpu.memory_space<hbm>> -> memref<25600xi32, #tpu.memory_space<hbm>>
      tpu.wait_dma2 semaphore(%run_scoped3A : memref<!tpu.dma_semaphore, #tpu.memory_space<semaphore_mem>>) src(%dma_wait3A_33 : memref<25600xi32, #tpu.memory_space<hbm>>) dst(%arg5 : memref<25600xi32, #tpu.memory_space<vmem>>)
      tpu.yield
    }) : () -> ()
    %scan3A = arith.constant 0 : i32
    %scan3A_3 = arith.constant 0 : i32
    %scan3A_4 = arith.constant 32 : i32
    %scan3A_5 = arith.addi %scan3A_3, %scan3A_4 : i32
    %scan3A_6 = arith.constant 1 : i32
    scf.for %scan3A_31 = %scan3A_3 to %scan3A_5 step %scan3A_6  : i32 {
      %mul3A_32 = arith.constant 4 : i32
      %mul3A_33 = arith.muli %scan3A_31, %mul3A_32 : i32
      %gt3A = arith.constant 0 : i32
      %gt3A_34 = arith.cmpi sgt, %scan3A_31, %gt3A : i32
      %convert_element_type3A = arith.extui %gt3A_34 : i1 to i32
      %cond3A = arith.constant 0 : i32
      %cond3A_35 = arith.cmpi ne, %convert_element_type3A, %cond3A : i32
      scf.if %cond3A_35 {
        %sub3A = arith.constant 4 : i32
        %sub3A_150 = arith.subi %mul3A_33, %sub3A : i32
        %add3A_151 = arith.constant 0 : i32
        %add3A_152 = arith.addi %sub3A_150, %add3A_151 : i32
        %mul3A_153 = arith.constant 200 : i32
        %mul3A_154 = arith.muli %add3A_152, %mul3A_153 : i32
        %add3A_155 = arith.addi %mul3A_2, %mul3A_154 : i32
        %dma_wait3A_156 = arith.constant 0 : i32
        %dma_wait3A_157 = tpu.memref_slice %arg4[%add3A_155, %dma_wait3A_156] : memref<819200x128xf32, #tpu.memory_space<hbm>> -> memref<200x128xf32, #tpu.memory_space<hbm>>
        %dma_wait3A_158 = arith.constant 0 : i32
        %dma_wait3A_159 = tpu.memref_slice %arg4[%add3A_155, %dma_wait3A_158] : memref<819200x128xf32, #tpu.memory_space<hbm>> -> memref<200x128xf32, #tpu.memory_space<hbm>>
        tpu.wait_dma2 semaphore(%arg14 : memref<!tpu.dma_semaphore, #tpu.memory_space<semaphore_mem>>) src(%arg6 : memref<200x128xf32, #tpu.memory_space<vmem>>) dst(%dma_wait3A_159 : memref<200x128xf32, #tpu.memory_space<hbm>>)
      } else {
      }
      %add3A_36 = arith.constant 0 : i32
      %add3A_37 = arith.addi %mul3A_33, %add3A_36 : i32
      %mul3A_38 = arith.constant 200 : i32
      %mul3A_39 = arith.muli %add3A_37, %mul3A_38 : i32
      %dma_start3A = tpu.memref_slice %arg5[%mul3A_39] : memref<25600xi32, #tpu.memory_space<vmem>> -> memref<200xi32, #tpu.memory_space<vmem>>
      %dma_start3A_40 = arith.constant 0 : i32
      %dma_start3A_41 = arith.constant 0 : i32
      %dma_start3A_42 = tpu.memref_slice %arg3[%dma_start3A_40, %dma_start3A_41] : memref<1000000x128xf32, #tpu.memory_space<hbm>> -> memref<1000000x128xf32, #tpu.memory_space<hbm>>
      tpu.enqueue_indirect_dma source(%dma_start3A_42 : memref<1000000x128xf32, #tpu.memory_space<hbm>>) target(%arg6 : memref<200x128xf32, #tpu.memory_space<vmem>>) offsets(%dma_start3A : memref<200xi32, #tpu.memory_space<vmem>>) semaphore(%arg10 : memref<!tpu.dma_semaphore, #tpu.memory_space<semaphore_mem>>)
      %gt3A_43 = arith.constant 0 : i32
      %gt3A_44 = arith.cmpi sgt, %scan3A_31, %gt3A_43 : i32
      %convert_element_type3A_45 = arith.extui %gt3A_44 : i1 to i32
      %cond3A_46 = arith.constant 0 : i32
      %cond3A_47 = arith.cmpi ne, %convert_element_type3A_45, %cond3A_46 : i32
      scf.if %cond3A_47 {
        %sub3A = arith.constant 4 : i32
        %sub3A_150 = arith.subi %mul3A_33, %sub3A : i32
        %add3A_151 = arith.constant 1 : i32
        %add3A_152 = arith.addi %sub3A_150, %add3A_151 : i32
        %mul3A_153 = arith.constant 200 : i32
        %mul3A_154 = arith.muli %add3A_152, %mul3A_153 : i32
        %add3A_155 = arith.addi %mul3A_2, %mul3A_154 : i32
        %dma_wait3A_156 = arith.constant 0 : i32
        %dma_wait3A_157 = tpu.memref_slice %arg4[%add3A_155, %dma_wait3A_156] : memref<819200x128xf32, #tpu.memory_space<hbm>> -> memref<200x128xf32, #tpu.memory_space<hbm>>
        %dma_wait3A_158 = arith.constant 0 : i32
        %dma_wait3A_159 = tpu.memref_slice %arg4[%add3A_155, %dma_wait3A_158] : memref<819200x128xf32, #tpu.memory_space<hbm>> -> memref<200x128xf32, #tpu.memory_space<hbm>>
        tpu.wait_dma2 semaphore(%arg15 : memref<!tpu.dma_semaphore, #tpu.memory_space<semaphore_mem>>) src(%arg7 : memref<200x128xf32, #tpu.memory_space<vmem>>) dst(%dma_wait3A_159 : memref<200x128xf32, #tpu.memory_space<hbm>>)
      } else {
      }
      %add3A_48 = arith.constant 1 : i32
      %add3A_49 = arith.addi %mul3A_33, %add3A_48 : i32
      %mul3A_50 = arith.constant 200 : i32
      %mul3A_51 = arith.muli %add3A_49, %mul3A_50 : i32
      %dma_start3A_52 = tpu.memref_slice %arg5[%mul3A_51] : memref<25600xi32, #tpu.memory_space<vmem>> -> memref<200xi32, #tpu.memory_space<vmem>>
      %dma_start3A_53 = arith.constant 0 : i32
      %dma_start3A_54 = arith.constant 0 : i32
      %dma_start3A_55 = tpu.memref_slice %arg3[%dma_start3A_53, %dma_start3A_54] : memref<1000000x128xf32, #tpu.memory_space<hbm>> -> memref<1000000x128xf32, #tpu.memory_space<hbm>>
      tpu.enqueue_indirect_dma source(%dma_start3A_55 : memref<1000000x128xf32, #tpu.memory_space<hbm>>) target(%arg7 : memref<200x128xf32, #tpu.memory_space<vmem>>) offsets(%dma_start3A_52 : memref<200xi32, #tpu.memory_space<vmem>>) semaphore(%arg11 : memref<!tpu.dma_semaphore, #tpu.memory_space<semaphore_mem>>)
      %gt3A_56 = arith.constant 0 : i32
      %gt3A_57 = arith.cmpi sgt, %scan3A_31, %gt3A_56 : i32
      %convert_element_type3A_58 = arith.extui %gt3A_57 : i1 to i32
      %cond3A_59 = arith.constant 0 : i32
      %cond3A_60 = arith.cmpi ne, %convert_element_type3A_58, %cond3A_59 : i32
      scf.if %cond3A_60 {
        %sub3A = arith.constant 4 : i32
        %sub3A_150 = arith.subi %mul3A_33, %sub3A : i32
        %add3A_151 = arith.constant 2 : i32
        %add3A_152 = arith.addi %sub3A_150, %add3A_151 : i32
        %mul3A_153 = arith.constant 200 : i32
        %mul3A_154 = arith.muli %add3A_152, %mul3A_153 : i32
        %add3A_155 = arith.addi %mul3A_2, %mul3A_154 : i32
        %dma_wait3A_156 = arith.constant 0 : i32
        %dma_wait3A_157 = tpu.memref_slice %arg4[%add3A_155, %dma_wait3A_156] : memref<819200x128xf32, #tpu.memory_space<hbm>> -> memref<200x128xf32, #tpu.memory_space<hbm>>
        %dma_wait3A_158 = arith.constant 0 : i32
        %dma_wait3A_159 = tpu.memref_slice %arg4[%add3A_155, %dma_wait3A_158] : memref<819200x128xf32, #tpu.memory_space<hbm>> -> memref<200x128xf32, #tpu.memory_space<hbm>>
        tpu.wait_dma2 semaphore(%arg16 : memref<!tpu.dma_semaphore, #tpu.memory_space<semaphore_mem>>) src(%arg8 : memref<200x128xf32, #tpu.memory_space<vmem>>) dst(%dma_wait3A_159 : memref<200x128xf32, #tpu.memory_space<hbm>>)
      } else {
      }
      %add3A_61 = arith.constant 2 : i32
      %add3A_62 = arith.addi %mul3A_33, %add3A_61 : i32
      %mul3A_63 = arith.constant 200 : i32
      %mul3A_64 = arith.muli %add3A_62, %mul3A_63 : i32
      %dma_start3A_65 = tpu.memref_slice %arg5[%mul3A_64] : memref<25600xi32, #tpu.memory_space<vmem>> -> memref<200xi32, #tpu.memory_space<vmem>>
      %dma_start3A_66 = arith.constant 0 : i32
      %dma_start3A_67 = arith.constant 0 : i32
      %dma_start3A_68 = tpu.memref_slice %arg3[%dma_start3A_66, %dma_start3A_67] : memref<1000000x128xf32, #tpu.memory_space<hbm>> -> memref<1000000x128xf32, #tpu.memory_space<hbm>>
      tpu.enqueue_indirect_dma source(%dma_start3A_68 : memref<1000000x128xf32, #tpu.memory_space<hbm>>) target(%arg8 : memref<200x128xf32, #tpu.memory_space<vmem>>) offsets(%dma_start3A_65 : memref<200xi32, #tpu.memory_space<vmem>>) semaphore(%arg12 : memref<!tpu.dma_semaphore, #tpu.memory_space<semaphore_mem>>)
      %gt3A_69 = arith.constant 0 : i32
      %gt3A_70 = arith.cmpi sgt, %scan3A_31, %gt3A_69 : i32
      %convert_element_type3A_71 = arith.extui %gt3A_70 : i1 to i32
      %cond3A_72 = arith.constant 0 : i32
      %cond3A_73 = arith.cmpi ne, %convert_element_type3A_71, %cond3A_72 : i32
      scf.if %cond3A_73 {
        %sub3A = arith.constant 4 : i32
        %sub3A_150 = arith.subi %mul3A_33, %sub3A : i32
        %add3A_151 = arith.constant 3 : i32
        %add3A_152 = arith.addi %sub3A_150, %add3A_151 : i32
        %mul3A_153 = arith.constant 200 : i32
        %mul3A_154 = arith.muli %add3A_152, %mul3A_153 : i32
        %add3A_155 = arith.addi %mul3A_2, %mul3A_154 : i32
        %dma_wait3A_156 = arith.constant 0 : i32
        %dma_wait3A_157 = tpu.memref_slice %arg4[%add3A_155, %dma_wait3A_156] : memref<819200x128xf32, #tpu.memory_space<hbm>> -> memref<200x128xf32, #tpu.memory_space<hbm>>
        %dma_wait3A_158 = arith.constant 0 : i32
        %dma_wait3A_159 = tpu.memref_slice %arg4[%add3A_155, %dma_wait3A_158] : memref<819200x128xf32, #tpu.memory_space<hbm>> -> memref<200x128xf32, #tpu.memory_space<hbm>>
        tpu.wait_dma2 semaphore(%arg17 : memref<!tpu.dma_semaphore, #tpu.memory_space<semaphore_mem>>) src(%arg9 : memref<200x128xf32, #tpu.memory_space<vmem>>) dst(%dma_wait3A_159 : memref<200x128xf32, #tpu.memory_space<hbm>>)
      } else {
      }
      %add3A_74 = arith.constant 3 : i32
      %add3A_75 = arith.addi %mul3A_33, %add3A_74 : i32
      %mul3A_76 = arith.constant 200 : i32
      %mul3A_77 = arith.muli %add3A_75, %mul3A_76 : i32
      %dma_start3A_78 = tpu.memref_slice %arg5[%mul3A_77] : memref<25600xi32, #tpu.memory_space<vmem>> -> memref<200xi32, #tpu.memory_space<vmem>>
      %dma_start3A_79 = arith.constant 0 : i32
      %dma_start3A_80 = arith.constant 0 : i32
      %dma_start3A_81 = tpu.memref_slice %arg3[%dma_start3A_79, %dma_start3A_80] : memref<1000000x128xf32, #tpu.memory_space<hbm>> -> memref<1000000x128xf32, #tpu.memory_space<hbm>>
      tpu.enqueue_indirect_dma source(%dma_start3A_81 : memref<1000000x128xf32, #tpu.memory_space<hbm>>) target(%arg9 : memref<200x128xf32, #tpu.memory_space<vmem>>) offsets(%dma_start3A_78 : memref<200xi32, #tpu.memory_space<vmem>>) semaphore(%arg13 : memref<!tpu.dma_semaphore, #tpu.memory_space<semaphore_mem>>)
      %add3A_82 = arith.constant 0 : i32
      %add3A_83 = arith.addi %mul3A_33, %add3A_82 : i32
      %mul3A_84 = arith.constant 200 : i32
      %mul3A_85 = arith.muli %add3A_83, %mul3A_84 : i32
      %dma_wait3A_86 = tpu.memref_slice %arg5[%mul3A_85] : memref<25600xi32, #tpu.memory_space<vmem>> -> memref<200xi32, #tpu.memory_space<vmem>>
      %dma_wait3A_87 = arith.constant 0 : i32
      %dma_wait3A_88 = arith.constant 0 : i32
      %dma_wait3A_89 = tpu.memref_slice %arg3[%dma_wait3A_87, %dma_wait3A_88] : memref<1000000x128xf32, #tpu.memory_space<hbm>> -> memref<1000000x128xf32, #tpu.memory_space<hbm>>
      tpu.wait_indirect_dma semaphore(%arg10 : memref<!tpu.dma_semaphore, #tpu.memory_space<semaphore_mem>>) src(%dma_wait3A_89 : memref<1000000x128xf32, #tpu.memory_space<hbm>>) dst(%arg6 : memref<200x128xf32, #tpu.memory_space<vmem>>)
      %add3A_90 = arith.constant 0 : i32
      %add3A_91 = arith.addi %mul3A_33, %add3A_90 : i32
      %mul3A_92 = arith.constant 200 : i32
      %mul3A_93 = arith.muli %add3A_91, %mul3A_92 : i32
      %add3A_94 = arith.addi %mul3A_2, %mul3A_93 : i32
      %dma_start3A_95 = arith.constant 0 : i32
      %dma_start3A_96 = tpu.memref_slice %arg4[%add3A_94, %dma_start3A_95] : memref<819200x128xf32, #tpu.memory_space<hbm>> -> memref<200x128xf32, #tpu.memory_space<hbm>>
      %dma_start3A_97 = arith.constant 0 : i32
      %dma_start3A_98 = tpu.memref_slice %arg4[%add3A_94, %dma_start3A_97] : memref<819200x128xf32, #tpu.memory_space<hbm>> -> memref<200x128xf32, #tpu.memory_space<hbm>>
      tpu.enqueue_dma source(%arg6 : memref<200x128xf32, #tpu.memory_space<vmem>>) target(%dma_start3A_98 : memref<200x128xf32, #tpu.memory_space<hbm>>) target_semaphore(%arg14 : memref<!tpu.dma_semaphore, #tpu.memory_space<semaphore_mem>>)
      %add3A_99 = arith.constant 1 : i32
      %add3A_100 = arith.addi %mul3A_33, %add3A_99 : i32
      %mul3A_101 = arith.constant 200 : i32
      %mul3A_102 = arith.muli %add3A_100, %mul3A_101 : i32
      %dma_wait3A_103 = tpu.memref_slice %arg5[%mul3A_102] : memref<25600xi32, #tpu.memory_space<vmem>> -> memref<200xi32, #tpu.memory_space<vmem>>
      %dma_wait3A_104 = arith.constant 0 : i32
      %dma_wait3A_105 = arith.constant 0 : i32
      %dma_wait3A_106 = tpu.memref_slice %arg3[%dma_wait3A_104, %dma_wait3A_105] : memref<1000000x128xf32, #tpu.memory_space<hbm>> -> memref<1000000x128xf32, #tpu.memory_space<hbm>>
      tpu.wait_indirect_dma semaphore(%arg11 : memref<!tpu.dma_semaphore, #tpu.memory_space<semaphore_mem>>) src(%dma_wait3A_106 : memref<1000000x128xf32, #tpu.memory_space<hbm>>) dst(%arg7 : memref<200x128xf32, #tpu.memory_space<vmem>>)
      %add3A_107 = arith.constant 1 : i32
      %add3A_108 = arith.addi %mul3A_33, %add3A_107 : i32
      %mul3A_109 = arith.constant 200 : i32
      %mul3A_110 = arith.muli %add3A_108, %mul3A_109 : i32
      %add3A_111 = arith.addi %mul3A_2, %mul3A_110 : i32
      %dma_start3A_112 = arith.constant 0 : i32
      %dma_start3A_113 = tpu.memref_slice %arg4[%add3A_111, %dma_start3A_112] : memref<819200x128xf32, #tpu.memory_space<hbm>> -> memref<200x128xf32, #tpu.memory_space<hbm>>
      %dma_start3A_114 = arith.constant 0 : i32
      %dma_start3A_115 = tpu.memref_slice %arg4[%add3A_111, %dma_start3A_114] : memref<819200x128xf32, #tpu.memory_space<hbm>> -> memref<200x128xf32, #tpu.memory_space<hbm>>
      tpu.enqueue_dma source(%arg7 : memref<200x128xf32, #tpu.memory_space<vmem>>) target(%dma_start3A_115 : memref<200x128xf32, #tpu.memory_space<hbm>>) target_semaphore(%arg15 : memref<!tpu.dma_semaphore, #tpu.memory_space<semaphore_mem>>)
      %add3A_116 = arith.constant 2 : i32
      %add3A_117 = arith.addi %mul3A_33, %add3A_116 : i32
      %mul3A_118 = arith.constant 200 : i32
      %mul3A_119 = arith.muli %add3A_117, %mul3A_118 : i32
      %dma_wait3A_120 = tpu.memref_slice %arg5[%mul3A_119] : memref<25600xi32, #tpu.memory_space<vmem>> -> memref<200xi32, #tpu.memory_space<vmem>>
      %dma_wait3A_121 = arith.constant 0 : i32
      %dma_wait3A_122 = arith.constant 0 : i32
      %dma_wait3A_123 = tpu.memref_slice %arg3[%dma_wait3A_121, %dma_wait3A_122] : memref<1000000x128xf32, #tpu.memory_space<hbm>> -> memref<1000000x128xf32, #tpu.memory_space<hbm>>
      tpu.wait_indirect_dma semaphore(%arg12 : memref<!tpu.dma_semaphore, #tpu.memory_space<semaphore_mem>>) src(%dma_wait3A_123 : memref<1000000x128xf32, #tpu.memory_space<hbm>>) dst(%arg8 : memref<200x128xf32, #tpu.memory_space<vmem>>)
      %add3A_124 = arith.constant 2 : i32
      %add3A_125 = arith.addi %mul3A_33, %add3A_124 : i32
      %mul3A_126 = arith.constant 200 : i32
      %mul3A_127 = arith.muli %add3A_125, %mul3A_126 : i32
      %add3A_128 = arith.addi %mul3A_2, %mul3A_127 : i32
      %dma_start3A_129 = arith.constant 0 : i32
      %dma_start3A_130 = tpu.memref_slice %arg4[%add3A_128, %dma_start3A_129] : memref<819200x128xf32, #tpu.memory_space<hbm>> -> memref<200x128xf32, #tpu.memory_space<hbm>>
      %dma_start3A_131 = arith.constant 0 : i32
      %dma_start3A_132 = tpu.memref_slice %arg4[%add3A_128, %dma_start3A_131] : memref<819200x128xf32, #tpu.memory_space<hbm>> -> memref<200x128xf32, #tpu.memory_space<hbm>>
      tpu.enqueue_dma source(%arg8 : memref<200x128xf32, #tpu.memory_space<vmem>>) target(%dma_start3A_132 : memref<200x128xf32, #tpu.memory_space<hbm>>) target_semaphore(%arg16 : memref<!tpu.dma_semaphore, #tpu.memory_space<semaphore_mem>>)
      %add3A_133 = arith.constant 3 : i32
      %add3A_134 = arith.addi %mul3A_33, %add3A_133 : i32
      %mul3A_135 = arith.constant 200 : i32
      %mul3A_136 = arith.muli %add3A_134, %mul3A_135 : i32
      %dma_wait3A_137 = tpu.memref_slice %arg5[%mul3A_136] : memref<25600xi32, #tpu.memory_space<vmem>> -> memref<200xi32, #tpu.memory_space<vmem>>
      %dma_wait3A_138 = arith.constant 0 : i32
      %dma_wait3A_139 = arith.constant 0 : i32
      %dma_wait3A_140 = tpu.memref_slice %arg3[%dma_wait3A_138, %dma_wait3A_139] : memref<1000000x128xf32, #tpu.memory_space<hbm>> -> memref<1000000x128xf32, #tpu.memory_space<hbm>>
      tpu.wait_indirect_dma semaphore(%arg13 : memref<!tpu.dma_semaphore, #tpu.memory_space<semaphore_mem>>) src(%dma_wait3A_140 : memref<1000000x128xf32, #tpu.memory_space<hbm>>) dst(%arg9 : memref<200x128xf32, #tpu.memory_space<vmem>>)
      %add3A_141 = arith.constant 3 : i32
      %add3A_142 = arith.addi %mul3A_33, %add3A_141 : i32
      %mul3A_143 = arith.constant 200 : i32
      %mul3A_144 = arith.muli %add3A_142, %mul3A_143 : i32
      %add3A_145 = arith.addi %mul3A_2, %mul3A_144 : i32
      %dma_start3A_146 = arith.constant 0 : i32
      %dma_start3A_147 = tpu.memref_slice %arg4[%add3A_145, %dma_start3A_146] : memref<819200x128xf32, #tpu.memory_space<hbm>> -> memref<200x128xf32, #tpu.memory_space<hbm>>
      %dma_start3A_148 = arith.constant 0 : i32
      %dma_start3A_149 = tpu.memref_slice %arg4[%add3A_145, %dma_start3A_148] : memref<819200x128xf32, #tpu.memory_space<hbm>> -> memref<200x128xf32, #tpu.memory_space<hbm>>
      tpu.enqueue_dma source(%arg9 : memref<200x128xf32, #tpu.memory_space<vmem>>) target(%dma_start3A_149 : memref<200x128xf32, #tpu.memory_space<hbm>>) target_semaphore(%arg17 : memref<!tpu.dma_semaphore, #tpu.memory_space<semaphore_mem>>)
    }
    %scan3A_7 = arith.constant 32 : i32
    %add3A_8 = arith.constant 24800 : i32
    %add3A_9 = arith.addi %mul3A_2, %add3A_8 : i32
    %dma_wait3A = arith.constant 0 : i32
    %dma_wait3A_10 = tpu.memref_slice %arg4[%add3A_9, %dma_wait3A] : memref<819200x128xf32, #tpu.memory_space<hbm>> -> memref<200x128xf32, #tpu.memory_space<hbm>>
    %dma_wait3A_11 = arith.constant 0 : i32
    %dma_wait3A_12 = tpu.memref_slice %arg4[%add3A_9, %dma_wait3A_11] : memref<819200x128xf32, #tpu.memory_space<hbm>> -> memref<200x128xf32, #tpu.memory_space<hbm>>
    tpu.wait_dma2 semaphore(%arg14 : memref<!tpu.dma_semaphore, #tpu.memory_space<semaphore_mem>>) src(%arg6 : memref<200x128xf32, #tpu.memory_space<vmem>>) dst(%dma_wait3A_12 : memref<200x128xf32, #tpu.memory_space<hbm>>)
    %add3A_13 = arith.constant 25000 : i32
    %add3A_14 = arith.addi %mul3A_2, %add3A_13 : i32
    %dma_wait3A_15 = arith.constant 0 : i32
    %dma_wait3A_16 = tpu.memref_slice %arg4[%add3A_14, %dma_wait3A_15] : memref<819200x128xf32, #tpu.memory_space<hbm>> -> memref<200x128xf32, #tpu.memory_space<hbm>>
    %dma_wait3A_17 = arith.constant 0 : i32
    %dma_wait3A_18 = tpu.memref_slice %arg4[%add3A_14, %dma_wait3A_17] : memref<819200x128xf32, #tpu.memory_space<hbm>> -> memref<200x128xf32, #tpu.memory_space<hbm>>
    tpu.wait_dma2 semaphore(%arg15 : memref<!tpu.dma_semaphore, #tpu.memory_space<semaphore_mem>>) src(%arg7 : memref<200x128xf32, #tpu.memory_space<vmem>>) dst(%dma_wait3A_18 : memref<200x128xf32, #tpu.memory_space<hbm>>)
    %add3A_19 = arith.constant 25200 : i32
    %add3A_20 = arith.addi %mul3A_2, %add3A_19 : i32
    %dma_wait3A_21 = arith.constant 0 : i32
    %dma_wait3A_22 = tpu.memref_slice %arg4[%add3A_20, %dma_wait3A_21] : memref<819200x128xf32, #tpu.memory_space<hbm>> -> memref<200x128xf32, #tpu.memory_space<hbm>>
    %dma_wait3A_23 = arith.constant 0 : i32
    %dma_wait3A_24 = tpu.memref_slice %arg4[%add3A_20, %dma_wait3A_23] : memref<819200x128xf32, #tpu.memory_space<hbm>> -> memref<200x128xf32, #tpu.memory_space<hbm>>
    tpu.wait_dma2 semaphore(%arg16 : memref<!tpu.dma_semaphore, #tpu.memory_space<semaphore_mem>>) src(%arg8 : memref<200x128xf32, #tpu.memory_space<vmem>>) dst(%dma_wait3A_24 : memref<200x128xf32, #tpu.memory_space<hbm>>)
    %add3A_25 = arith.constant 25400 : i32
    %add3A_26 = arith.addi %mul3A_2, %add3A_25 : i32
    %dma_wait3A_27 = arith.constant 0 : i32
    %dma_wait3A_28 = tpu.memref_slice %arg4[%add3A_26, %dma_wait3A_27] : memref<819200x128xf32, #tpu.memory_space<hbm>> -> memref<200x128xf32, #tpu.memory_space<hbm>>
    %dma_wait3A_29 = arith.constant 0 : i32
    %dma_wait3A_30 = tpu.memref_slice %arg4[%add3A_26, %dma_wait3A_29] : memref<819200x128xf32, #tpu.memory_space<hbm>> -> memref<200x128xf32, #tpu.memory_space<hbm>>
    tpu.wait_dma2 semaphore(%arg17 : memref<!tpu.dma_semaphore, #tpu.memory_space<semaphore_mem>>) src(%arg9 : memref<200x128xf32, #tpu.memory_space<vmem>>) dst(%dma_wait3A_30 : memref<200x128xf32, #tpu.memory_space<hbm>>)
    return
  }
}

</mosaic_0001>

<sc_bundles>
// kernel: kernel.4.cloned.1.call-start
scs
__scs_entry_jumppad:
0x0: {  	(pc) =	sbr.rel $0x88, $3  }
0x1: {  	(tag) =	ssettag $0x0;
	lr =	simm.s32 $0x1  }
0x2: {  	[smem:$0x3F9F] =	sst lr;
	_ =	strace $0xD0000000  }
0x3: {  	_ = 	snop  }
0x4: {  	_ = 	snop  }
0x5: {  	_ = 	snop  }
0x6: {  	_ = 	snop  }
0x7: {  	_ = 	snop  }
__scs_overlays_trampoline_lowered:
0x8: {  	[smem:$0x3FAE] =	sst s0  }
0x9: {  	[smem:$0x3FAF] =	sst s1  }
0xa: {  	[smem:$0x3FB0] =	sst s2  }
0xb: {  	[smem:$0x3FB1] =	sst s3  }
0xc: {  	[smem:$0x3FB2] =	sst s4  }
0xd: {  	[smem:$0x3FB3] =	sst s5  }
0xe: {  	[smem:$0x3FB4] =	sst s6  }
0xf: {  	[smem:$0x3FB5] =	sst s7  }
0x10: {  	[smem:$0x3FB6] =	sst s8  }
0x11: {  	[smem:$0x3FB7] =	sst s9;
	s0 =	simm.s32 @!p0 $0x0  }
0x12: {  	s1 =	sld [smem:$0x3F9D];
	s0 =	simm.s32 @p0 $0x1  }
0x13: {  	[smem:$0x3FB8] =	sst s0;
	s0 =	simm.s32 @!p1 $0x0  }
0x14: {  	s2 =	sld [smem:$0x3F9C];
	s0 =	simm.s32 @p1 $0x1  }
0x15: {  	[smem:$0x3FB9] =	sst s0;
	s0 =	simm.s32 @!p2 $0x0  }
0x16: {  	s3 =	sld [smem:$0x3FDB];
	s0 =	simm.s32 @p2 $0x1  }
0x17: {  	s4 =	simm.s32 $0x1BF5;
	[smem:$0x3FBB] =	sst s0  }
0x18: {  	s0 =	sld [smem:$0x3F9E];
	_ =	swait.ge [sflag:s4], $0x0  }
0x19: {  	s7 =	sld [smem:$0x3F9F]  }
0x1a: {  	s8 =	sadd.s32 $0xFFFFE003, lr  }
0x1b: {  	s9 =	sadd.s32 $0xFFFFFEF7, lr;
	s5 =	simm.s32 $0xFFFFFFFF;
	p2 =	slt.u32 s8, $0xFFFFF086  }
0x1c: {  	p1 =	slt.u32 s9, $0xF7A;
	s5 =	simm.s32 @!p2 $0x0  }
0x1d: {  	s5 =	simm.s32 @p1 $0x1;
	p0 =	seq.s32 s7, s2  }
0x1e: {  	s7 =	smul.u32 @!p0 $0xF7A, s2;
	p2 =	seq.s32 @!p0 s5, $0x0  }
0x1f: {  	s9 =	smul.u32 $0xF7A, s1;
	s8 =	simm.s32 @!p0 $0x1BF5;
	p2 =	por !p2, p0  }
0x20: {  	[sflag:s8] =	ssyncset.s32 @!p0 $0xFFFFF086;
	s6 =	sadd.s32 @!p0 s3, s7;
	s7 =	simm.s32 @!p0 $0x108  }
0x21: {  	s3 =	sadd.s32 s3, s9;
	s6 =	sadd.s32 @!p0 $0x88, s6;
	s7 =	simm.s32 @p2 $0x1082  }
0x22: {  	[simem:s7], [sflag:s8] =	dma.local @!p0 [hbm:s6], $0xF7A  }
0x23: {  	s9 =	sor.u32 $0xD0000000, s2;
	s6 =	simm.s32 $0x108;
	_ =	swait.ge @!p0 [sflag:s8], $0x0  }
0x24: {  	s3 =	sadd.s32 $0x88, s3;
	s6 =	simm.s32 @!p1 $0x1082;
	[sflag:s4] =	ssyncset.s32 $0xFFFFF086  }
0x25: {  	[simem:s6], [sflag:s4] =	dma.local [hbm:s3], $0xF7A  }
0x26: {  	[smem:$0x3F9F] =	sst s1;
	(tag) =	ssettag s2;
	_ =	strace s9  }
0x27: {  	s1 =	sld [smem:$0x3FAF]  }
0x28: {  	s2 =	sld [smem:$0x3FB0]  }
0x29: {  	s4 =	sld [smem:$0x3FB2]  }
0x2a: {  	p0 =	seq.s32 s5, $0x0;
	s5 =	sld [smem:$0x3FB3]  }
0x2b: {  	s6 =	sld [smem:$0x3FB4]  }
0x2c: {  	s7 =	sld [smem:$0x3FB5]  }
0x2d: {  	s3 =	simm.s32 $0x108;
	s8 =	sld [smem:$0x3FB6]  }
0x2e: {  	s3 =	simm.s32 @!p0 $0x1082;
	s9 =	sld [smem:$0x3FB7]  }
0x2f: {  	lr =	sadd.s32 s0, s3;
	s0 =	sld [smem:$0x3FAE]  }
0x30: {  	s3 =	sld [smem:$0x3FB1]  }
0x31: {  	[smem:$0x3FBA] =	sst s10  }
0x32: {  	s10 =	sld [smem:$0x3FB8];
	_ =	sdelay $0x3  }
0x33: {  	p0 =	seq.s32 s10, $0x1;
	s10 =	sld [smem:$0x3FBA];
	_ =	sdelay $0x3  }
0x34: {  	[smem:$0x3FBA] =	sst s10  }
0x35: {  	s10 =	sld [smem:$0x3FB9];
	_ =	sdelay $0x3  }
0x36: {  	p1 =	seq.s32 s10, $0x1;
	s10 =	sld [smem:$0x3FBA];
	_ =	sdelay $0x3  }
0x37: {  	[smem:$0x3FBA] =	sst s10  }
0x38: {  	s10 =	sld [smem:$0x3FBB]  }
0x39: {  	_ = 	snop;
	(pc) =	sbr.ind lr, $3  }
0x3a: {  	_ = 	snop  }
0x3b: {  	_ = 	snop  }
0x3c: {  	p2 =	seq.s32 s10, $0x1;
	s10 =	sld [smem:$0x3FBA]  }
0x3d: {  	_ =	shalt  }
0x3e: {  	_ =	shalt  }
0x3f: {  	_ =	shalt  }
0x40: {  	_ =	shalt  }
0x41: {  	_ =	shalt  }
0x42: {  	_ =	shalt  }
0x43: {  	_ =	shalt  }
0x44: {  	_ =	shalt  }
0x45: {  	_ =	shalt  }
0x46: {  	_ =	shalt  }
0x47: {  	_ =	shalt  }
0x48: {  	_ =	shalt  }
0x49: {  	_ =	shalt  }
0x4a: {  	_ =	shalt  }
0x4b: {  	_ =	shalt  }
0x4c: {  	_ =	shalt  }
0x4d: {  	_ =	shalt  }
0x4e: {  	_ =	shalt  }
0x4f: {  	_ =	shalt  }
0x50: {  	_ =	shalt  }
0x51: {  	_ =	shalt  }
0x52: {  	_ =	shalt  }
0x53: {  	_ =	shalt  }
0x54: {  	_ =	shalt  }
0x55: {  	_ =	shalt  }
0x56: {  	_ =	shalt  }
0x57: {  	_ =	shalt  }
0x58: {  	_ =	shalt  }
0x59: {  	_ =	shalt  }
0x5a: {  	_ =	shalt  }
0x5b: {  	_ =	shalt  }
0x5c: {  	_ =	shalt  }
0x5d: {  	_ =	shalt  }
0x5e: {  	_ =	shalt  }
0x5f: {  	_ =	shalt  }
0x60: {  	_ =	shalt  }
0x61: {  	_ =	shalt  }
0x62: {  	_ =	shalt  }
0x63: {  	_ =	shalt  }
0x64: {  	_ =	shalt  }
0x65: {  	_ =	shalt  }
0x66: {  	_ =	shalt  }
0x67: {  	_ =	shalt  }
0x68: {  	_ =	shalt  }
0x69: {  	_ =	shalt  }
0x6a: {  	_ =	shalt  }
0x6b: {  	_ =	shalt  }
0x6c: {  	_ =	shalt  }
0x6d: {  	_ =	shalt  }
0x6e: {  	_ =	shalt  }
0x6f: {  	_ =	shalt  }
0x70: {  	_ =	shalt  }
0x71: {  	_ =	shalt  }
0x72: {  	_ =	shalt  }
0x73: {  	_ =	shalt  }
0x74: {  	_ =	shalt  }
0x75: {  	_ =	shalt  }
0x76: {  	_ =	shalt  }
0x77: {  	_ =	shalt  }
0x78: {  	_ =	shalt  }
0x79: {  	_ =	shalt  }
0x7a: {  	_ =	shalt  }
0x7b: {  	_ =	shalt  }
0x7c: {  	_ =	shalt  }
0x7d: {  	_ =	shalt  }
0x7e: {  	_ =	shalt  }
0x7f: {  	_ =	shalt  }
0x80: {  	_ =	shalt  }
0x81: {  	_ =	shalt  }
0x82: {  	_ =	shalt  }
0x83: {  	_ =	shalt  }
0x84: {  	_ =	shalt  }
0x85: {  	_ =	shalt  }
0x86: {  	_ =	shalt  }
0x87: {  	_ =	shalt  }
.Lfunc_end0:
.L_simem_size_0:
called_computation.1_lowered:
.L_overlay_start_0:
0x88: {  	s2 =	sld [smem:$0x3FD9]  }
0x89: {  	s3 =	sld [smem:$0x3FFE];
	_ =	sdelay $0x1  }
0x8a: {  	s1 =	srdreg.scid  }
0x8b: {  	s0 =	sand.u32 $0x1, s1  }
0x8c: {  	s17 =	sshll.u32 s0, $0xA;
	s2 =	sadd.s32 s3, s2  }
0x8d: {  	s2 =	sadd.s32 s2, s17  }
0x8e: {  	[smem:$0x3FC6] =	sst s2  }
0x8f: {  	_ = 	snop  }
0x90: {  	s2 =	sld [smem:$0x3FC8];
	(tm) =	ssettm $0x1  }
0x91: {  	s18 =	sld [smem:$0x3FFB];
	_ =	sdelay $0x3  }
0x92: {  	_ =	strace s18  }
0x93: {  	s3 =	sld [smem:$0x3FFC];
	_ =	sdelay $0x3  }
0x94: {  	_ =	strace s3  }
0x95: {  	s3 =	sld [smem:$0x3FFD];
	_ =	sdelay $0x3  }
0x96: {  	_ =	strace s3  }
0x97: {  	_ =	strace $0x8FFFFFFF  }
0x98: {  	s19 =	sld [smem:$0x3FDB];
	_ =	sdelay $0x1  }
0x99: {  	s4 =	simm.s32 $_scs_section_size  }
0x9a: {  	s5 =	simm.s32 $_size__tile_overlayer_lowered;
	s6 =	simm.s32 $_tile_overlayer_lowered  }
0x9b: {  	s22 =	simm.s32 $0x1BFF;
	s21 =	sshll.u32 s6, $0x1;
	s3 =	sadd.s32 s4, s19  }
0x9c: {  	s7 =	simm.s32 $0x0;
	s20 =	sshll.u32 s5, $0x1;
	s5 =	sadd.s32 s21, s3  }
0x9d: {  	[timem:s7], [sflag:s22] =	dma.local [hbm:s5], s20  }
0x9e: {  	_ =	swait.ge [sflag:s22], s20  }
0x9f: {  	s4 =	ssub.s32 $0x0, s20;
	[sflag:s22] =	ssyncset.done $0x0  }
0xa0: {  	[sflag:s22] =	ssyncadd.s32 s4;
	_ =	sdelay $0x1  }
0xa1: {  	s23 =	simm.s32 $0x1B8B  }
0xa2: {  	_ =	swait.ge [sflag:s23], $0x1  }
0xa3: {  	[sflag:s23] =	ssyncset.done $0x0  }
0xa4: {  	s25 =	simm.s32 $0x1B8E;
	s24 =	sld [smem:$0x3FFE];
	[sflag:s23] =	ssyncadd.s32 $0xFFFFFFFF  }
0xa5: {  	s26 =	simm.s32 $execute0_lowered;
	[smem:$0x3FD2] =	sst s25  }
0xa6: {  	s5 =	sshll.u32 s26, $0x1;
	_ =	strace $0x80000046;
	[dreg:$0x1] =	wrdreg $0xFFFFFFFF  }
0xa7: {  	s28 =	simm.s32 $_size_execute0_lowered;
	s3 =	sadd.s32 s3, s5;
	[dreg:$0x0] =	wrdreg $0x0  }
0xa8: {  	s5 =	sshll.u32 s28, $0x1;
	[dreg:$0x2] =	wrdreg s3  }
0xa9: {  	[dreg:$0x3] =	wrdreg s5  }
0xaa: {  	[dreg:$0x4] =	wrdreg $0xC0  }
0xab: {  	_ =	task [dreg:s7], $0x5FFFF  }
0xac: {  	[dreg:$0x1] =	wrdreg $0xFFFFFFFF  }
0xad: {  	[dreg:$0x0] =	wrdreg $0x60  }
0xae: {  	[dreg:$0x2] =	wrdreg s2  }
0xaf: {  	[dreg:$0x3] =	wrdreg s24  }
0xb0: {  	[dreg:$0x4] =	wrdreg $0x9  }
0xb1: {  	_ =	task.clear_ibuf [dreg:s7], $0x5FFFF;
	_ =	strace $0x90000046  }
0xb2: {  	s29 =	simm.s32 $0x9;
	_ =	strace $0x80000048  }
0xb3: {  	_ =	swait.ge [sflag:s29], $0x1  }
0xb4: {  	[sflag:s29] =	ssyncadd.s32 $0xFFFFFFFF  }
0xb5: {  	_ =	strace $0x90000048  }
0xb6: {  	_ =	sfence  }
0xb7: {  	s30 =	sld [smem:$0x0];
	_ =	sdelay $0x2  }
0xb8: {  	s31 =	sshll.u32 s1, $0xD;
	s1 =	sshrl.u32 s1, $0x2  }
0xb9: {  	s3 =	sand.u32 $0x4000, s31;
	s1 =	sadd.s32 s1, s30  }
0xba: {  	s0 =	sor.u32 s3, s0;
	s1 =	sshll.u32 s1, $0x11  }
0xbb: {  	s0 =	sor.u32 s1, s0  }
0xbc: {  	s0 =	sadd.s32 $0x8F2B, s0  }
0xbd: {  	[sflag:s0] =	ssyncadd.remote.s32 $0x1  }
0xbe: {  	_ =	sfence.sel $0xFFFF  }
0xbf: {  	[dreg:$0x0] =	wrdreg $0xFFFFFFFF;
	(pc) =	sbr.abs _section_cstart, $3  }
0xc0: {  	[dreg:$0x1] =	wrdreg $0xFFFFFFFF  }
0xc1: {  	_ =	task.clear_ibuf [dreg:s7], $0x2FFFF;
	_ =	strace $0x9FFFFFFF  }
0xc2: {  	(tm) =	ssettm $0x7FFFFFFF  }
0xc3: {  	_ =	shalt  }
tec
execute0_lowered:
.L_overlay_start_1:
0x0: {  	(tag) =	ssettag $0x1  }
0x1: {  	s1 =	rddreg [dreg:$0x0]  }
0x2: {  	s8 =	rddreg [dreg:$0x1]  }
0x3: {  	s0 =	rddreg [dreg:$0x2];
	s4 =	srdreg.scid;
	s3 =	simm.s32 $0x0  }
0x4: {  	v0 =	vlaneseq.u32;
	s2 =	stileid.u32;
	s11 =	simm.s32 $0x7A1400;
	s12 =	simm.s32 $0x400  }
0x5: {  	s13 =	simm.s32 $0x4000;
	s14 =	simm.s32 $0x2000;
	s15 =	simm.s32 $0x8000;
	v1 =	vmul.u32 $0x81, v0;
	v2 =	vmul.u32 $0x80, v0  }
0x6: {  	s16 =	simm.s32 $0xC000;
	s17 =	simm.s32 $0x5;
	s18 =	simm.s32 $0x0;
	v3 =	vor.u32 $0x10, v0;
	v5 =	vor.u32 $0x20, v0;
	v7 =	vor.u32 $0x30, v0  }
0x7: {  	s4 =	sand.u32 $0x1, s4;
	[smem:$0x7FF] =	sst s3;
	s5 =	sshll.u32 s2, $0x1;
	v9 =	vor.u32 $0x40, v0;
	v11 =	vor.u32 $0x50, v0;
	v13 =	vor.u32 $0x60, v0  }
.Ltmp0:
0x8: {  	s9 =	sadd.s32 $0xF4200, s1;
	v15 =	vor.u32 $0x70, v0;
	p0 =	sgt.u32 s2, $0x1;
	v4 =	vor.u32 $0x800, v1;
	v6 =	vor.u32 $0x1000, v1;
	(pc) =	sbr.rel .LBB2_1-.Ltmp0, $4  }
0x9: {  	s6 =	ssub.s32 $0x2, s4;
	_ =	strace $0x80000047;
	s4 =	sor.u32 s4, s5;
	v8 =	vor.u32 $0x1800, v1;
	v10 =	vor.u32 $0x2000, v1;
	v12 =	vor.u32 $0x2800, v1  }
0xa: {  	s5 =	sadd.s32 $0xE00, s8;
	s8 =	sadd.s32 $0xF42E00, s8;
	s7 =	sshrl.u32 s6, $0x1;
	v14 =	vor.u32 $0x3000, v1;
	v16 =	vor.u32 $0x3800, v1;
	v17 =	vor.u32 $0x800, v2  }
0xb: {  	s31 =	sshll.u32 s4, $0x7;
	v18 =	vor.u32 $0x1000, v2;
	v19 =	vor.u32 $0x1800, v2;
	v20 =	vor.u32 $0x2000, v2;
	p1 =	sne.s32 s4, $0x0;
	s10 =	ssub.s32 s6, s7  }
0xc: {  	v21 =	vor.u32 $0x2800, v2;
	v22 =	vor.u32 $0x3000, v2;
	v23 =	vor.u32 $0x3800, v2;
	s6 =	sadd.s32 s1, s31;
	s7 =	sor.u32 $0x40, s4;
	s10 =	smax.u32 s10, $0x1  }
.LBB2_9:
.Ltmp1:
0xd: {  	(pc) =	sbr.rel @!p1 .LBB2_10-.Ltmp1, $4  }
0xe: {  	s19 =	simm.s32 @!p0 $0x3  }
0xf: {  	_ =	swait.ge @!p0 [sflag:s19], $0x4000  }
0x10: {  	[sflag:s19] =	ssyncset.done @!p0 $0x0  }
0x11: {  	[sflag:s19] =	ssyncadd.s32 @!p0 $0xFFFFC000  }
.LBB2_13:
0x12: {  	s18 =	sadd.s32 $0x1, s18  }
0x13: {  	p2 =	sne.s32 s18, s10  }
.Ltmp2:
0x14: {  	_ = 	snop;
	(pc) =	sbr.rel @!p2 .LBB2_14-.Ltmp2, $1  }
0x15: {  	_ =	sdelay $0x3  }
.LBB2_1:
.Ltmp3:
0x16: {  	(pc) =	sbr.rel .LBB2_2-.Ltmp3, $3  }
0x17: {  	_ =	sdelay $0x1  }
0x18: {  	[tilespmem:s3], [sflag:$0x1] =	stream.strided.gather [hbm4b:s6+s12], $0x2000, s11, s12, $0x38;
	[tilespmem:$0xE000] =	vst v63  }
0x19: {  	s19 =	simm.s32 $0x0  }
.LBB2_8:
0x1a: {  	s19 =	sadd.s32 $0x1, s19  }
0x1b: {  	p2 =	sne.s32 s19, $0x7B  }
.Ltmp4:
0x1c: {  	_ = 	snop;
	(pc) =	sbr.rel @!p2 .LBB2_9-.Ltmp4, $1  }
0x1d: {  	_ =	sdelay $0x3  }
.LBB2_2:
0x1e: {  	s21 =	sshll.u32 s19, $0x6  }
0x1f: {  	s22 =	sor.u32 s4, s21  }
0x20: {  	p4 =	sgt.u32 s22, $0x1E83;
	s20 =	sor.u32 $0x20, s22  }
0x21: {  	s23 =	simm.s32 @!p4 $0x1;
	p2 =	sgt.u32 s20, $0x1E83  }
0x22: {  	_ =	swait.ge @!p4 [sflag:s23], $0x2000;
	s24 =	sshll.u32 @!p2 s20, $0x7  }
0x23: {  	s25 =	simm.s32 @!p2 $0x7A1400;
	s26 =	simm.s32 @!p2 $0x2000;
	[sflag:s23] =	ssyncset.done @!p4 $0x0  }
0x24: {  	[sflag:s23] =	ssyncadd.s32 @!p4 $0xFFFFE000;
	s23 =	sadd.s32 @!p2 s1, s24;
	s24 =	simm.s32 @!p2 $0x400  }
0x25: {  	[tilespmem:s26], [sflag:$0x2] =	stream.strided.gather @!p2 [hbm4b:s23+s24], $0x2000, s25, s24, $0x38;
	[tilespmem:$0xE000] =	vst v63  }
.Ltmp5:
0x26: {  	p3 =	seq.s32 s19, $0x0;
	(pc) =	sbr.rel @p4 .LBB2_5-.Ltmp5, $4  }
0x27: {  	s23 =	simm.s32 @!p3 $0x3  }
0x28: {  	_ =	swait.ge @!p3 [sflag:s23], $0x4000  }
0x29: {  	[sflag:s23] =	ssyncset.done @!p3 $0x0  }
0x2a: {  	[sflag:s23] =	ssyncadd.s32 @!p3 $0xFFFFC000;
	s23 =	simm.s32 $0x0  }
.LBB2_3:
0x2b: {  	v24 =	vmov s23  }
0x2c: {  	s24 =	sadd.s32 $0x1, s23;
	v24 =	vshll.u32 v24, $0x7  }
0x2d: {  	v25 =	vadd.s32 s24, v0;
	v26 =	vor.u32 v2, v24  }
0x2e: {  	s30 =	sadd.s32 $0x2, s23;
	v29 =	vand.u32 $0x3F, v25;
	v24 =	vor.u32 v0, v26  }
0x2f: {  	s31 =	sadd.s32 $0x3, s23;
	v27 =	vadd.s32 s30, v0;
	v25 =	vshll.u32 v29, $0x7  }
0x30: {  	v32 =	vadd.s32 s31, v0;
	v27 =	vand.u32 $0x3F, v27;
	v28 =	vor.u32 v0, v25  }
0x31: {  	v34 =	vand.u32 $0x3F, v32;
	v31 =	vshll.u32 v27, $0x7  }
0x32: {  	v32 =	vshll.u32 v34, $0x7;
	v30 =	vor.u32 v0, v31  }
0x33: {  	v33 =	vor.u32 s23, v1;
	v39 =	vor.u32 v0, v32;
	v24 =	vld.idx.msk [tilespmem:v24+s3+$0x0], $0xffff  }
0x34: {  	v35 =	vor.u32 v3, v26  }
0x35: {  	v36 =	vor.u32 v2, v29;
	v28 =	vld.idx.msk [tilespmem:v28+s3+$0x0], $0xffff  }
0x36: {  	v37 =	vor.u32 v3, v25  }
0x37: {  	v38 =	vor.u32 v2, v27;
	v30 =	vld.idx.msk [tilespmem:v30+s3+$0x0], $0xffff  }
0x38: {  	v60 =	vor.u32 v2, v34;
	v40 =	vor.u32 v3, v31;
	v59 =	vld.idx.msk [tilespmem:v39+s3+$0x0], $0xffff;
	[tilespmem:v33+s13+$0x0] =	vst.idx.msk $0xffff, v24  }
0x39: {  	v54 =	vor.u32 s23, v4;
	v41 =	vor.u32 v3, v32;
	v24 =	vld.idx.msk [tilespmem:v35+s3+$0x0], $0xffff  }
0x3a: {  	v55 =	vor.u32 v5, v26;
	[tilespmem:v36+s13+$0x0] =	vst.idx.msk $0xffff, v28  }
0x3b: {  	v57 =	vor.u32 v17, v29;
	v56 =	vld.idx.msk [tilespmem:v37+s3+$0x0], $0xffff  }
0x3c: {  	v58 =	vor.u32 v5, v25;
	[tilespmem:v38+s13+$0x0] =	vst.idx.msk $0xffff, v30  }
0x3d: {  	v62 =	vor.u32 v17, v27;
	[tilespmem:v60+s13+$0x0] =	vst.idx.msk $0xffff, v59;
	v61 =	vld.idx.msk [tilespmem:v40+s3+$0x0], $0xffff  }
0x3e: {  	v49 =	vor.u32 v17, v34;
	v42 =	vor.u32 v5, v31;
	v48 =	vld.idx.msk [tilespmem:v41+s3+$0x0], $0xffff;
	[tilespmem:v54+s13+$0x0] =	vst.idx.msk $0xffff, v24  }
0x3f: {  	v63 =	vor.u32 s23, v6;
	v51 =	vor.u32 v5, v32;
	v24 =	vld.idx.msk [tilespmem:v55+s3+$0x0], $0xffff  }
0x40: {  	v45 =	vor.u32 v7, v26;
	[tilespmem:v57+s13+$0x0] =	vst.idx.msk $0xffff, v56  }
0x41: {  	v46 =	vor.u32 v18, v29;
	v35 =	vld.idx.msk [tilespmem:v58+s3+$0x0], $0xffff  }
0x42: {  	v47 =	vor.u32 v7, v25;
	[tilespmem:v62+s13+$0x0] =	vst.idx.msk $0xffff, v61  }
0x43: {  	v50 =	vor.u32 v18, v27;
	[tilespmem:v49+s13+$0x0] =	vst.idx.msk $0xffff, v48;
	v39 =	vld.idx.msk [tilespmem:v42+s3+$0x0], $0xffff  }
0x44: {  	v52 =	vor.u32 v7, v31;
	v57 =	vor.u32 v18, v34;
	v37 =	vld.idx.msk [tilespmem:v51+s3+$0x0], $0xffff;
	[tilespmem:v63+s13+$0x0] =	vst.idx.msk $0xffff, v24  }
0x45: {  	v53 =	vor.u32 s23, v8;
	v59 =	vor.u32 v7, v32;
	v24 =	vld.idx.msk [tilespmem:v45+s3+$0x0], $0xffff  }
0x46: {  	v54 =	vor.u32 v9, v26;
	[tilespmem:v46+s13+$0x0] =	vst.idx.msk $0xffff, v35  }
0x47: {  	v55 =	vor.u32 v19, v29;
	v30 =	vld.idx.msk [tilespmem:v47+s3+$0x0], $0xffff  }
0x48: {  	v56 =	vor.u32 v9, v25;
	[tilespmem:v50+s13+$0x0] =	vst.idx.msk $0xffff, v39  }
0x49: {  	v58 =	vor.u32 v19, v27;
	[tilespmem:v57+s13+$0x0] =	vst.idx.msk $0xffff, v37;
	v39 =	vld.idx.msk [tilespmem:v52+s3+$0x0], $0xffff  }
0x4a: {  	v60 =	vor.u32 v9, v31;
	v50 =	vor.u32 v19, v34;
	v37 =	vld.idx.msk [tilespmem:v59+s3+$0x0], $0xffff;
	[tilespmem:v53+s13+$0x0] =	vst.idx.msk $0xffff, v24  }
0x4b: {  	v61 =	vor.u32 s23, v10;
	v52 =	vor.u32 v9, v32;
	v24 =	vld.idx.msk [tilespmem:v54+s3+$0x0], $0xffff  }
0x4c: {  	v62 =	vor.u32 v11, v26;
	[tilespmem:v55+s13+$0x0] =	vst.idx.msk $0xffff, v30  }
0x4d: {  	v48 =	vor.u32 v20, v29;
	v63 =	vld.idx.msk [tilespmem:v56+s3+$0x0], $0xffff  }
0x4e: {  	s25 =	sadd.s32 $0x4, s23;
	v49 =	vor.u32 v11, v25;
	[tilespmem:v58+s13+$0x0] =	vst.idx.msk $0xffff, v39  }
0x4f: {  	v51 =	vor.u32 v20, v27;
	v57 =	vadd.s32 s25, v0;
	[tilespmem:v50+s13+$0x0] =	vst.idx.msk $0xffff, v37;
	v39 =	vld.idx.msk [tilespmem:v60+s3+$0x0], $0xffff  }
0x50: {  	v53 =	vor.u32 v11, v31;
	v37 =	vld.idx.msk [tilespmem:v52+s3+$0x0], $0xffff;
	v56 =	vor.u32 v20, v34;
	[tilespmem:v61+s13+$0x0] =	vst.idx.msk $0xffff, v24  }
0x51: {  	v43 =	vor.u32 s23, v12;
	v59 =	vor.u32 v11, v32;
	v24 =	vand.u32 $0x3F, v57;
	v30 =	vld.idx.msk [tilespmem:v62+s3+$0x0], $0xffff  }
0x52: {  	v44 =	vor.u32 v13, v26;
	[tilespmem:v48+s13+$0x0] =	vst.idx.msk $0xffff, v63;
	v28 =	vshll.u32 v24, $0x7  }
0x53: {  	v54 =	vor.u32 v21, v29;
	v33 =	vld.idx.msk [tilespmem:v49+s3+$0x0], $0xffff;
	v61 =	vor.u32 v0, v28  }
0x54: {  	v40 =	vor.u32 v23, v27;
	v55 =	vor.u32 v13, v25;
	[tilespmem:v51+s13+$0x0] =	vst.idx.msk $0xffff, v39  }
0x55: {  	v26 =	vor.u32 v15, v26;
	v58 =	vor.u32 v21, v27;
	[tilespmem:v56+s13+$0x0] =	vst.idx.msk $0xffff, v37;
	v39 =	vld.idx.msk [tilespmem:v53+s3+$0x0], $0xffff  }
0x56: {  	v60 =	vor.u32 v13, v31;
	v48 =	vld.idx.msk [tilespmem:v59+s3+$0x0], $0xffff;
	v49 =	vor.u32 v21, v34;
	[tilespmem:v43+s13+$0x0] =	vst.idx.msk $0xffff, v30  }
0x57: {  	s26 =	sadd.s32 $0x5, s23;
	v52 =	vor.u32 v13, v32;
	v62 =	vor.u32 s23, v14;
	v63 =	vor.u32 v22, v29;
	v43 =	vld.idx.msk [tilespmem:v44+s3+$0x0], $0xffff  }
0x58: {  	v47 =	vor.u32 s23, v16;
	v46 =	vor.u32 v2, v24;
	v53 =	vadd.s32 s26, v0;
	[tilespmem:v54+s13+$0x0] =	vst.idx.msk $0xffff, v33;
	v45 =	vld.idx.msk [tilespmem:v61+s3+$0x0], $0xffff  }
0x59: {  	s28 =	sadd.s32 $0x6, s23;
	v54 =	vor.u32 v15, v25;
	v25 =	vand.u32 $0x3F, v53;
	v33 =	vld.idx.msk [tilespmem:v55+s3+$0x0], $0xffff;
	v55 =	vor.u32 v3, v28  }
0x5a: {  	v51 =	vor.u32 v22, v27;
	v56 =	vadd.s32 s28, v0;
	[tilespmem:v58+s13+$0x0] =	vst.idx.msk $0xffff, v39;
	v30 =	vshll.u32 v25, $0x7  }
0x5b: {  	v59 =	vor.u32 v22, v34;
	[tilespmem:v49+s13+$0x0] =	vst.idx.msk $0xffff, v48;
	v50 =	vld.idx.msk [tilespmem:v60+s3+$0x0], $0xffff;
	v57 =	vor.u32 v0, v30  }
0x5c: {  	v58 =	vor.u32 v15, v31;
	v61 =	vor.u32 v15, v32;
	v36 =	vld.idx.msk [tilespmem:v52+s3+$0x0], $0xffff;
	[tilespmem:v62+s13+$0x0] =	vst.idx.msk $0xffff, v43  }
0x5d: {  	v48 =	vor.u32 v2, v25;
	v49 =	vor.u32 v3, v30;
	[tilespmem:v46+s13+$0x0] =	vst.idx.msk $0xffff, v45;
	v44 =	vld.idx.msk [tilespmem:v26+s3+$0x0], $0xffff  }
0x5e: {  	v62 =	vor.u32 v17, v24;
	[tilespmem:v63+s13+$0x0] =	vst.idx.msk $0xffff, v33;
	v26 =	vand.u32 $0x3F, v56;
	v41 =	vld.idx.msk [tilespmem:v55+s3+$0x0], $0xffff  }
0x5f: {  	s30 =	sadd.s32 $0x8, s23;
	v43 =	vor.u32 v23, v29;
	v63 =	vor.u32 v5, v28;
	v29 =	vshll.u32 v26, $0x7;
	v39 =	vld.idx.msk [tilespmem:v54+s3+$0x0], $0xffff  }
0x60: {  	s29 =	sadd.s32 $0x7, s23;
	s31 =	sadd.s32 $0x9, s23;
	[tilespmem:v51+s13+$0x0] =	vst.idx.msk $0xffff, v50;
	v56 =	vadd.s32 s30, v0;
	v55 =	vld.idx.msk [tilespmem:v57+s3+$0x0], $0xffff;
	v60 =	vor.u32 v0, v29  }
0x61: {  	[tilespmem:v59+s13+$0x0] =	vst.idx.msk $0xffff, v36;
	v59 =	vadd.s32 s31, v0;
	v54 =	vadd.s32 s29, v0;
	v50 =	vld.idx.msk [tilespmem:v58+s3+$0x0], $0xffff;
	v32 =	vand.u32 $0x3F, v56  }
0x62: {  	v27 =	vand.u32 $0x3F, v59;
	v31 =	vand.u32 $0x3F, v54;
	v35 =	vshll.u32 v32, $0x7;
	[tilespmem:v47+s13+$0x0] =	vst.idx.msk $0xffff, v44;
	v44 =	vld.idx.msk [tilespmem:v61+s3+$0x0], $0xffff  }
0x63: {  	v61 =	vor.u32 v23, v34;
	[tilespmem:v62+s13+$0x0] =	vst.idx.msk $0xffff, v41;
	v62 =	vor.u32 v0, v35;
	v34 =	vshll.u32 v27, $0x7  }
0x64: {  	v33 =	vshll.u32 v31, $0x7;
	v42 =	vld.idx.msk [tilespmem:v63+s3+$0x0], $0xffff;
	v63 =	vor.u32 v18, v24;
	v52 =	vor.u32 v0, v34  }
0x65: {  	v51 =	vor.u32 v2, v26;
	v58 =	vor.u32 v0, v33;
	[tilespmem:v48+s13+$0x0] =	vst.idx.msk $0xffff, v55;
	v57 =	vld.idx.msk [tilespmem:v60+s3+$0x0], $0xffff  }
0x66: {  	v53 =	vor.u32 v7, v28;
	v55 =	vor.u32 v17, v25;
	v54 =	vld.idx.msk [tilespmem:v49+s3+$0x0], $0xffff  }
0x67: {  	v60 =	vor.u32 v3, v29  }
0x68: {  	[tilespmem:v43+s13+$0x0] =	vst.idx.msk $0xffff, v39;
	v41 =	vld.idx.msk [tilespmem:v62+s3+$0x0], $0xffff;
	v62 =	vor.u32 v2, v32  }
0x69: {  	v56 =	vor.u32 v5, v30;
	[tilespmem:v63+s13+$0x0] =	vst.idx.msk $0xffff, v42;
	v63 =	vld.idx.msk [tilespmem:v52+s3+$0x0], $0xffff;
	v52 =	vor.u32 v2, v27  }
0x6a: {  	v37 =	vld.idx.msk [tilespmem:v58+s3+$0x0], $0xffff;
	v42 =	vor.u32 v3, v35;
	[tilespmem:v51+s13+$0x0] =	vst.idx.msk $0xffff, v57;
	v57 =	vor.u32 v2, v31  }
0x6b: {  	v39 =	vld.idx.msk [tilespmem:v53+s3+$0x0], $0xffff;
	[tilespmem:v55+s13+$0x0] =	vst.idx.msk $0xffff, v54;
	v53 =	vor.u32 v19, v24;
	v54 =	vor.u32 v3, v34  }
0x6c: {  	v59 =	vor.u32 v17, v26;
	[tilespmem:v61+s13+$0x0] =	vst.idx.msk $0xffff, v44;
	v58 =	vld.idx.msk [tilespmem:v60+s3+$0x0], $0xffff;
	v60 =	vor.u32 v3, v33  }
0x6d: {  	v55 =	vor.u32 v9, v28;
	[tilespmem:v62+s13+$0x0] =	vst.idx.msk $0xffff, v41  }
0x6e: {  	v61 =	vor.u32 v5, v29;
	v36 =	vld.idx.msk [tilespmem:v56+s3+$0x0], $0xffff;
	v56 =	vor.u32 v18, v25;
	[tilespmem:v52+s13+$0x0] =	vst.idx.msk $0xffff, v63  }
0x6f: {  	v42 =	vld.idx.msk [tilespmem:v42+s3+$0x0], $0xffff;
	v63 =	vor.u32 v17, v32;
	[tilespmem:v57+s13+$0x0] =	vst.idx.msk $0xffff, v37  }
0x70: {  	v57 =	vor.u32 v7, v30;
	[tilespmem:v53+s13+$0x0] =	vst.idx.msk $0xffff, v39;
	v52 =	vld.idx.msk [tilespmem:v54+s3+$0x0], $0xffff;
	v53 =	vor.u32 v17, v27  }
0x71: {  	v39 =	vor.u32 v5, v35;
	[tilespmem:v59+s13+$0x0] =	vst.idx.msk $0xffff, v58;
	v58 =	vld.idx.msk [tilespmem:v60+s3+$0x0], $0xffff;
	v59 =	vor.u32 v17, v31  }
0x72: {  	[tilespmem:v40+s13+$0x0] =	vst.idx.msk $0xffff, v50;
	v54 =	vor.u32 v20, v24;
	v37 =	vld.idx.msk [tilespmem:v55+s3+$0x0], $0xffff;
	v55 =	vor.u32 v5, v34  }
0x73: {  	v60 =	vor.u32 v18, v26;
	[tilespmem:v56+s13+$0x0] =	vst.idx.msk $0xffff, v36;
	v38 =	vld.idx.msk [tilespmem:v61+s3+$0x0], $0xffff;
	v61 =	vor.u32 v5, v33  }
0x74: {  	v62 =	vor.u32 v7, v29;
	[tilespmem:v63+s13+$0x0] =	vst.idx.msk $0xffff, v42  }
0x75: {  	v40 =	vld.idx.msk [tilespmem:v57+s3+$0x0], $0xffff;
	v57 =	vor.u32 v19, v25;
	[tilespmem:v53+s13+$0x0] =	vst.idx.msk $0xffff, v52  }
0x76: {  	v56 =	vor.u32 v11, v28;
	v39 =	vld.idx.msk [tilespmem:v39+s3+$0x0], $0xffff;
	v52 =	vor.u32 v18, v32;
	[tilespmem:v59+s13+$0x0] =	vst.idx.msk $0xffff, v58  }
0x77: {  	v58 =	vor.u32 v9, v30;
	[tilespmem:v54+s13+$0x0] =	vst.idx.msk $0xffff, v37;
	v53 =	vld.idx.msk [tilespmem:v55+s3+$0x0], $0xffff;
	v54 =	vor.u32 v18, v27  }
0x78: {  	v36 =	vor.u32 v7, v35;
	[tilespmem:v60+s13+$0x0] =	vst.idx.msk $0xffff, v38;
	v59 =	vld.idx.msk [tilespmem:v61+s3+$0x0], $0xffff;
	v60 =	vor.u32 v18, v31  }
0x79: {  	v61 =	vor.u32 v19, v26;
	v45 =	vld.idx.msk [tilespmem:v62+s3+$0x0], $0xffff;
	v62 =	vor.u32 v7, v33  }
0x7a: {  	v63 =	vor.u32 v9, v29;
	[tilespmem:v57+s13+$0x0] =	vst.idx.msk $0xffff, v40  }
0x7b: {  	v55 =	vor.u32 v21, v24;
	v47 =	vld.idx.msk [tilespmem:v56+s3+$0x0], $0xffff;
	v56 =	vor.u32 v7, v34;
	[tilespmem:v52+s13+$0x0] =	vst.idx.msk $0xffff, v39  }
0x7c: {  	v38 =	vld.idx.msk [tilespmem:v58+s3+$0x0], $0xffff;
	v58 =	vor.u32 v20, v25;
	[tilespmem:v54+s13+$0x0] =	vst.idx.msk $0xffff, v53  }
0x7d: {  	v36 =	vld.idx.msk [tilespmem:v36+s3+$0x0], $0xffff;
	v53 =	vor.u32 v19, v32;
	[tilespmem:v60+s13+$0x0] =	vst.idx.msk $0xffff, v59;
	v59 =	vor.u32 v11, v30  }
0x7e: {  	v54 =	vor.u32 v9, v35;
	[tilespmem:v61+s13+$0x0] =	vst.idx.msk $0xffff, v45;
	v60 =	vld.idx.msk [tilespmem:v62+s3+$0x0], $0xffff;
	v61 =	vor.u32 v19, v31  }
0x7f: {  	v62 =	vor.u32 v20, v26;
	v43 =	vld.idx.msk [tilespmem:v63+s3+$0x0], $0xffff;
	v63 =	vor.u32 v9, v33  }
0x80: {  	v52 =	vor.u32 v11, v29;
	[tilespmem:v55+s13+$0x0] =	vst.idx.msk $0xffff, v47;
	v55 =	vld.idx.msk [tilespmem:v56+s3+$0x0], $0xffff;
	v56 =	vor.u32 v19, v27  }
0x81: {  	[tilespmem:v58+s13+$0x0] =	vst.idx.msk $0xffff, v38;
	v58 =	vor.u32 v9, v34  }
0x82: {  	v50 =	vor.u32 v11, v35;
	v57 =	vor.u32 v13, v28;
	[tilespmem:v53+s13+$0x0] =	vst.idx.msk $0xffff, v36;
	v42 =	vld.idx.msk [tilespmem:v59+s3+$0x0], $0xffff  }
0x83: {  	v48 =	vor.u32 v23, v26;
	v59 =	vor.u32 v21, v25;
	v36 =	vld.idx.msk [tilespmem:v54+s3+$0x0], $0xffff;
	[tilespmem:v61+s13+$0x0] =	vst.idx.msk $0xffff, v60  }
0x84: {  	v49 =	vor.u32 v20, v32;
	v28 =	vor.u32 v15, v28;
	[tilespmem:v62+s13+$0x0] =	vst.idx.msk $0xffff, v43;
	v60 =	vld.idx.msk [tilespmem:v63+s3+$0x0], $0xffff  }
0x85: {  	v40 =	vor.u32 v22, v26;
	[tilespmem:v56+s13+$0x0] =	vst.idx.msk $0xffff, v55;
	v61 =	vor.u32 v20, v31;
	v37 =	vld.idx.msk [tilespmem:v52+s3+$0x0], $0xffff  }
0x86: {  	v47 =	vor.u32 v23, v24;
	v63 =	vor.u32 v11, v33;
	v52 =	vor.u32 v20, v27;
	v51 =	vld.idx.msk [tilespmem:v58+s3+$0x0], $0xffff  }
0x87: {  	v45 =	vor.u32 v22, v25;
	v41 =	vld.idx.msk [tilespmem:v57+s3+$0x0], $0xffff;
	v57 =	vor.u32 v22, v24;
	v53 =	vor.u32 v11, v34  }
0x88: {  	v38 =	vor.u32 v23, v32;
	v62 =	vor.u32 v21, v26;
	[tilespmem:v59+s13+$0x0] =	vst.idx.msk $0xffff, v42  }
0x89: {  	v54 =	vor.u32 v13, v30;
	v55 =	vor.u32 v13, v29;
	[tilespmem:v49+s13+$0x0] =	vst.idx.msk $0xffff, v36  }
0x8a: {  	v56 =	vor.u32 v21, v31;
	v59 =	vor.u32 v21, v32;
	v58 =	vld.idx.msk [tilespmem:v50+s3+$0x0], $0xffff;
	[tilespmem:v61+s13+$0x0] =	vst.idx.msk $0xffff, v60  }
0x8b: {  	v30 =	vor.u32 v15, v30;
	v60 =	vor.u32 v13, v35;
	v39 =	vld.idx.msk [tilespmem:v63+s3+$0x0], $0xffff;
	[tilespmem:v52+s13+$0x0] =	vst.idx.msk $0xffff, v51  }
0x8c: {  	[tilespmem:v57+s13+$0x0] =	vst.idx.msk $0xffff, v41;
	v57 =	vor.u32 v13, v33;
	v61 =	vor.u32 v21, v27;
	v24 =	vld.idx.msk [tilespmem:v53+s3+$0x0], $0xffff  }
0x8d: {  	v29 =	vor.u32 v15, v29;
	v28 =	vld.idx.msk [tilespmem:v28+s3+$0x0], $0xffff;
	[tilespmem:v62+s13+$0x0] =	vst.idx.msk $0xffff, v37;
	v62 =	vor.u32 v13, v34  }
0x8e: {  	v43 =	vor.u32 v15, v33;
	v36 =	vor.u32 v23, v25;
	v49 =	vor.u32 v23, v31;
	v42 =	vld.idx.msk [tilespmem:v54+s3+$0x0], $0xffff  }
0x8f: {  	s25 =	sadd.s32 $0xA, s23;
	s30 =	sadd.s32 $0xE, s23;
	v50 =	vor.u32 v22, v32;
	v54 =	vor.u32 v22, v27;
	v37 =	vld.idx.msk [tilespmem:v55+s3+$0x0], $0xffff;
	[tilespmem:v59+s13+$0x0] =	vst.idx.msk $0xffff, v58  }
0x90: {  	s28 =	sadd.s32 $0xC, s23;
	s31 =	sadd.s32 $0xF, s23;
	v35 =	vor.u32 v15, v35;
	v55 =	vadd.s32 s25, v0;
	v52 =	vadd.s32 s30, v0;
	v41 =	vld.idx.msk [tilespmem:v60+s3+$0x0], $0xffff;
	[tilespmem:v56+s13+$0x0] =	vst.idx.msk $0xffff, v39  }
0x91: {  	s26 =	sadd.s32 $0xB, s23;
	v63 =	vor.u32 v22, v31;
	v53 =	vadd.s32 s31, v0;
	v59 =	vadd.s32 s28, v0;
	v46 =	vld.idx.msk [tilespmem:v57+s3+$0x0], $0xffff;
	[tilespmem:v61+s13+$0x0] =	vst.idx.msk $0xffff, v24  }
0x92: {  	[tilespmem:v47+s13+$0x0] =	vst.idx.msk $0xffff, v28;
	v26 =	vand.u32 $0x3F, v59;
	v57 =	vadd.s32 s26, v0;
	v24 =	vand.u32 $0x3F, v55;
	v58 =	vld.idx.msk [tilespmem:v62+s3+$0x0], $0xffff  }
0x93: {  	s29 =	sadd.s32 $0xD, s23;
	[tilespmem:v45+s13+$0x0] =	vst.idx.msk $0xffff, v42;
	v56 =	vor.u32 v15, v34;
	v25 =	vand.u32 $0x3F, v57;
	v31 =	vshll.u32 v24, $0x7  }
0x94: {  	v45 =	vld.idx.msk [tilespmem:v30+s3+$0x0], $0xffff;
	[tilespmem:v40+s13+$0x0] =	vst.idx.msk $0xffff, v37;
	v32 =	vshll.u32 v25, $0x7;
	v62 =	vadd.s32 s29, v0;
	v60 =	vor.u32 v0, v31  }
0x95: {  	v33 =	vshll.u32 v26, $0x7;
	v40 =	vld.idx.msk [tilespmem:v29+s3+$0x0], $0xffff;
	v61 =	vor.u32 v0, v32;
	v28 =	vand.u32 $0x3F, v62;
	[tilespmem:v50+s13+$0x0] =	vst.idx.msk $0xffff, v41  }
0x96: {  	v29 =	vand.u32 $0x3F, v52;
	v34 =	vshll.u32 v28, $0x7;
	v41 =	vld.idx.msk [tilespmem:v35+s3+$0x0], $0xffff;
	[tilespmem:v63+s13+$0x0] =	vst.idx.msk $0xffff, v46;
	v63 =	vor.u32 v0, v33  }
0x97: {  	v30 =	vand.u32 $0x3F, v53;
	v35 =	vshll.u32 v29, $0x7;
	v43 =	vld.idx.msk [tilespmem:v43+s3+$0x0], $0xffff;
	[tilespmem:v54+s13+$0x0] =	vst.idx.msk $0xffff, v58;
	v54 =	vor.u32 v0, v34  }
0x98: {  	v55 =	vor.u32 v23, v27;
	v27 =	vshll.u32 v30, $0x7;
	v44 =	vld.idx.msk [tilespmem:v56+s3+$0x0], $0xffff;
	v56 =	vor.u32 v0, v35  }
0x99: {  	v59 =	vor.u32 v0, v27;
	[tilespmem:v36+s13+$0x0] =	vst.idx.msk $0xffff, v45;
	v58 =	vor.u32 v2, v24;
	v57 =	vld.idx.msk [tilespmem:v60+s3+$0x0], $0xffff  }
0x9a: {  	[tilespmem:v48+s13+$0x0] =	vst.idx.msk $0xffff, v40;
	v60 =	vor.u32 v3, v31;
	v37 =	vld.idx.msk [tilespmem:v61+s3+$0x0], $0xffff;
	v61 =	vor.u32 v2, v25  }
0x9b: {  	v62 =	vor.u32 v3, v32;
	[tilespmem:v38+s13+$0x0] =	vst.idx.msk $0xffff, v41;
	v39 =	vld.idx.msk [tilespmem:v63+s3+$0x0], $0xffff;
	v63 =	vor.u32 v2, v26  }
0x9c: {  	v53 =	vor.u32 v2, v28;
	v38 =	vor.u32 v3, v33;
	[tilespmem:v49+s13+$0x0] =	vst.idx.msk $0xffff, v43;
	v52 =	vld.idx.msk [tilespmem:v54+s3+$0x0], $0xffff  }
0x9d: {  	[tilespmem:v55+s13+$0x0] =	vst.idx.msk $0xffff, v44;
	v44 =	vor.u32 v3, v34;
	v54 =	vld.idx.msk [tilespmem:v56+s3+$0x0], $0xffff;
	v55 =	vor.u32 v2, v29  }
0x9e: {  	[tilespmem:v58+s13+$0x0] =	vst.idx.msk $0xffff, v57;
	v56 =	vor.u32 v3, v35;
	v57 =	vld.idx.msk [tilespmem:v59+s3+$0x0], $0xffff;
	v58 =	vor.u32 v2, v30  }
0x9f: {  	[tilespmem:v61+s13+$0x0] =	vst.idx.msk $0xffff, v37;
	v59 =	vor.u32 v17, v24;
	v40 =	vld.idx.msk [tilespmem:v60+s3+$0x0], $0xffff;
	v60 =	vor.u32 v3, v27  }
0xa0: {  	v61 =	vor.u32 v5, v31;
	v43 =	vld.idx.msk [tilespmem:v62+s3+$0x0], $0xffff;
	v62 =	vor.u32 v17, v25;
	[tilespmem:v63+s13+$0x0] =	vst.idx.msk $0xffff, v39  }
0xa1: {  	v63 =	vor.u32 v5, v32;
	v38 =	vld.idx.msk [tilespmem:v38+s3+$0x0], $0xffff;
	[tilespmem:v53+s13+$0x0] =	vst.idx.msk $0xffff, v52;
	v52 =	vor.u32 v17, v26  }
0xa2: {  	v53 =	vor.u32 v5, v33;
	[tilespmem:v55+s13+$0x0] =	vst.idx.msk $0xffff, v54;
	v44 =	vld.idx.msk [tilespmem:v44+s3+$0x0], $0xffff;
	v54 =	vor.u32 v17, v28  }
0xa3: {  	[tilespmem:v58+s13+$0x0] =	vst.idx.msk $0xffff, v57;
	v55 =	vor.u32 v5, v34;
	v36 =	vld.idx.msk [tilespmem:v56+s3+$0x0], $0xffff;
	v56 =	vor.u32 v17, v29  }
0xa4: {  	v57 =	vor.u32 v5, v35;
	[tilespmem:v59+s13+$0x0] =	vst.idx.msk $0xffff, v40;
	v58 =	vld.idx.msk [tilespmem:v60+s3+$0x0], $0xffff;
	v59 =	vor.u32 v17, v30  }
0xa5: {  	[tilespmem:v62+s13+$0x0] =	vst.idx.msk $0xffff, v43;
	v60 =	vor.u32 v18, v24;
	v39 =	vld.idx.msk [tilespmem:v61+s3+$0x0], $0xffff;
	v61 =	vor.u32 v5, v27  }
0xa6: {  	v62 =	vor.u32 v7, v31;
	v41 =	vld.idx.msk [tilespmem:v63+s3+$0x0], $0xffff;
	v63 =	vor.u32 v18, v25;
	[tilespmem:v52+s13+$0x0] =	vst.idx.msk $0xffff, v38  }
0xa7: {  	v52 =	vor.u32 v7, v32;
	[tilespmem:v54+s13+$0x0] =	vst.idx.msk $0xffff, v44;
	v47 =	vld.idx.msk [tilespmem:v53+s3+$0x0], $0xffff;
	v53 =	vor.u32 v18, v26  }
0xa8: {  	v54 =	vor.u32 v7, v33;
	[tilespmem:v56+s13+$0x0] =	vst.idx.msk $0xffff, v36;
	v42 =	vld.idx.msk [tilespmem:v55+s3+$0x0], $0xffff;
	v55 =	vor.u32 v18, v28  }
0xa9: {  	[tilespmem:v59+s13+$0x0] =	vst.idx.msk $0xffff, v58;
	v56 =	vor.u32 v7, v34;
	v37 =	vld.idx.msk [tilespmem:v57+s3+$0x0], $0xffff;
	v57 =	vor.u32 v18, v29  }
0xaa: {  	v58 =	vor.u32 v7, v35;
	[tilespmem:v60+s13+$0x0] =	vst.idx.msk $0xffff, v39;
	v59 =	vld.idx.msk [tilespmem:v61+s3+$0x0], $0xffff;
	v60 =	vor.u32 v18, v30  }
0xab: {  	[tilespmem:v63+s13+$0x0] =	vst.idx.msk $0xffff, v41;
	v61 =	vor.u32 v19, v24;
	v38 =	vld.idx.msk [tilespmem:v62+s3+$0x0], $0xffff;
	v62 =	vor.u32 v7, v27  }
0xac: {  	v63 =	vor.u32 v9, v31;
	v44 =	vld.idx.msk [tilespmem:v52+s3+$0x0], $0xffff;
	v52 =	vor.u32 v19, v25;
	[tilespmem:v53+s13+$0x0] =	vst.idx.msk $0xffff, v47  }
0xad: {  	v53 =	vor.u32 v9, v32;
	[tilespmem:v55+s13+$0x0] =	vst.idx.msk $0xffff, v42;
	v36 =	vld.idx.msk [tilespmem:v54+s3+$0x0], $0xffff;
	v54 =	vor.u32 v19, v26  }
0xae: {  	v55 =	vor.u32 v9, v33;
	[tilespmem:v57+s13+$0x0] =	vst.idx.msk $0xffff, v37;
	v40 =	vld.idx.msk [tilespmem:v56+s3+$0x0], $0xffff;
	v56 =	vor.u32 v19, v28  }
0xaf: {  	[tilespmem:v60+s13+$0x0] =	vst.idx.msk $0xffff, v59;
	v57 =	vor.u32 v9, v34;
	v39 =	vld.idx.msk [tilespmem:v58+s3+$0x0], $0xffff;
	v58 =	vor.u32 v19, v29  }
0xb0: {  	v59 =	vor.u32 v9, v35;
	[tilespmem:v61+s13+$0x0] =	vst.idx.msk $0xffff, v38;
	v60 =	vld.idx.msk [tilespmem:v62+s3+$0x0], $0xffff;
	v61 =	vor.u32 v19, v30  }
0xb1: {  	v62 =	vor.u32 v20, v24;
	v47 =	vld.idx.msk [tilespmem:v63+s3+$0x0], $0xffff;
	[tilespmem:v52+s13+$0x0] =	vst.idx.msk $0xffff, v44;
	v63 =	vor.u32 v9, v27  }
0xb2: {  	v52 =	vor.u32 v11, v31;
	v42 =	vld.idx.msk [tilespmem:v53+s3+$0x0], $0xffff;
	v53 =	vor.u32 v20, v25;
	[tilespmem:v54+s13+$0x0] =	vst.idx.msk $0xffff, v36  }
0xb3: {  	v54 =	vor.u32 v11, v32;
	[tilespmem:v56+s13+$0x0] =	vst.idx.msk $0xffff, v40;
	v37 =	vld.idx.msk [tilespmem:v55+s3+$0x0], $0xffff;
	v55 =	vor.u32 v20, v26  }
0xb4: {  	v56 =	vor.u32 v11, v33;
	[tilespmem:v58+s13+$0x0] =	vst.idx.msk $0xffff, v39;
	v43 =	vld.idx.msk [tilespmem:v57+s3+$0x0], $0xffff;
	v57 =	vor.u32 v20, v28  }
0xb5: {  	[tilespmem:v61+s13+$0x0] =	vst.idx.msk $0xffff, v60;
	v58 =	vor.u32 v11, v34;
	v38 =	vld.idx.msk [tilespmem:v59+s3+$0x0], $0xffff;
	v59 =	vor.u32 v20, v29  }
0xb6: {  	v60 =	vor.u32 v11, v35;
	[tilespmem:v62+s13+$0x0] =	vst.idx.msk $0xffff, v47;
	v61 =	vld.idx.msk [tilespmem:v63+s3+$0x0], $0xffff;
	v62 =	vor.u32 v20, v30  }
0xb7: {  	v63 =	vor.u32 v21, v24;
	v36 =	vld.idx.msk [tilespmem:v52+s3+$0x0], $0xffff;
	[tilespmem:v53+s13+$0x0] =	vst.idx.msk $0xffff, v42;
	v52 =	vor.u32 v11, v27  }
0xb8: {  	v53 =	vor.u32 v13, v31;
	v40 =	vld.idx.msk [tilespmem:v54+s3+$0x0], $0xffff;
	v54 =	vor.u32 v21, v25;
	[tilespmem:v55+s13+$0x0] =	vst.idx.msk $0xffff, v37  }
0xb9: {  	v55 =	vor.u32 v13, v32;
	[tilespmem:v57+s13+$0x0] =	vst.idx.msk $0xffff, v43;
	v39 =	vld.idx.msk [tilespmem:v56+s3+$0x0], $0xffff;
	v56 =	vor.u32 v21, v26  }
0xba: {  	v57 =	vor.u32 v13, v33;
	[tilespmem:v59+s13+$0x0] =	vst.idx.msk $0xffff, v38;
	v41 =	vld.idx.msk [tilespmem:v58+s3+$0x0], $0xffff;
	v58 =	vor.u32 v21, v28  }
0xbb: {  	[tilespmem:v62+s13+$0x0] =	vst.idx.msk $0xffff, v61;
	v59 =	vor.u32 v13, v34;
	v44 =	vld.idx.msk [tilespmem:v60+s3+$0x0], $0xffff;
	v60 =	vor.u32 v21, v29  }
0xbc: {  	v61 =	vor.u32 v13, v35;
	[tilespmem:v63+s13+$0x0] =	vst.idx.msk $0xffff, v36;
	v62 =	vld.idx.msk [tilespmem:v52+s3+$0x0], $0xffff;
	v63 =	vor.u32 v21, v30  }
0xbd: {  	v52 =	vor.u32 v22, v24;
	v37 =	vld.idx.msk [tilespmem:v53+s3+$0x0], $0xffff;
	[tilespmem:v54+s13+$0x0] =	vst.idx.msk $0xffff, v40;
	v53 =	vor.u32 v13, v27  }
0xbe: {  	v31 =	vor.u32 v15, v31;
	v54 =	vld.idx.msk [tilespmem:v55+s3+$0x0], $0xffff;
	v55 =	vor.u32 v22, v25;
	[tilespmem:v56+s13+$0x0] =	vst.idx.msk $0xffff, v39  }
0xbf: {  	v32 =	vor.u32 v15, v32;
	v56 =	vor.u32 v22, v26;
	[tilespmem:v58+s13+$0x0] =	vst.idx.msk $0xffff, v41;
	v38 =	vld.idx.msk [tilespmem:v57+s3+$0x0], $0xffff  }
0xc0: {  	v33 =	vor.u32 v15, v33;
	v58 =	vor.u32 v22, v28;
	[tilespmem:v60+s13+$0x0] =	vst.idx.msk $0xffff, v44;
	v57 =	vld.idx.msk [tilespmem:v59+s3+$0x0], $0xffff  }
0xc1: {  	v34 =	vor.u32 v15, v34;
	[tilespmem:v63+s13+$0x0] =	vst.idx.msk $0xffff, v62;
	v59 =	vor.u32 v22, v29;
	v36 =	vld.idx.msk [tilespmem:v61+s3+$0x0], $0xffff  }
0xc2: {  	v35 =	vor.u32 v15, v35;
	[tilespmem:v52+s13+$0x0] =	vst.idx.msk $0xffff, v37;
	v60 =	vld.idx.msk [tilespmem:v53+s3+$0x0], $0xffff;
	v61 =	vor.u32 v22, v30  }
0xc3: {  	v24 =	vor.u32 v23, v24;
	v27 =	vor.u32 v15, v27;
	[tilespmem:v55+s13+$0x0] =	vst.idx.msk $0xffff, v54;
	v31 =	vld.idx.msk [tilespmem:v31+s3+$0x0], $0xffff  }
0xc4: {  	v25 =	vor.u32 v23, v25;
	v32 =	vld.idx.msk [tilespmem:v32+s3+$0x0], $0xffff;
	[tilespmem:v56+s13+$0x0] =	vst.idx.msk $0xffff, v38  }
0xc5: {  	v26 =	vor.u32 v23, v26;
	[tilespmem:v58+s13+$0x0] =	vst.idx.msk $0xffff, v57;
	v33 =	vld.idx.msk [tilespmem:v33+s3+$0x0], $0xffff  }
0xc6: {  	v28 =	vor.u32 v23, v28;
	[tilespmem:v59+s13+$0x0] =	vst.idx.msk $0xffff, v36;
	v34 =	vld.idx.msk [tilespmem:v34+s3+$0x0], $0xffff  }
0xc7: {  	v29 =	vor.u32 v23, v29;
	[tilespmem:v61+s13+$0x0] =	vst.idx.msk $0xffff, v60;
	v35 =	vld.idx.msk [tilespmem:v35+s3+$0x0], $0xffff  }
0xc8: {  	p4 =	slt.u32 s23, $0x30;
	v63 =	vor.u32 v23, v30;
	[tilespmem:v24+s13+$0x0] =	vst.idx.msk $0xffff, v31;
	v62 =	vld.idx.msk [tilespmem:v27+s3+$0x0], $0xffff  }
.Ltmp6:
0xc9: {  	[tilespmem:v25+s13+$0x0] =	vst.idx.msk $0xffff, v32;
	(pc) =	sbr.rel @p4 .LBB2_3-.Ltmp6, $4  }
0xca: {  	[tilespmem:v26+s13+$0x0] =	vst.idx.msk $0xffff, v33  }
0xcb: {  	[tilespmem:v28+s13+$0x0] =	vst.idx.msk $0xffff, v34  }
0xcc: {  	[tilespmem:v29+s13+$0x0] =	vst.idx.msk $0xffff, v35  }
0xcd: {  	s23 =	sadd.s32 $0x10, s23;
	[tilespmem:v63+s13+$0x0] =	vst.idx.msk $0xffff, v62  }
0xce: {  	s22 =	sshll.u32 s22, $0xB  }
0xcf: {  	s22 =	sadd.s32 s5, s22  }
0xd0: {  	[hbm4b:s22+s3] =	stream.linear.scatter [tilespmem:s13], [sflag:$0x3], $0x4000, $0x38;
	[tilespmem:$0xE000] =	vst v63  }
0xd1: {  	s22 =	simm.s32 @!p2 $0x2  }
0xd2: {  	_ =	swait.ge @!p2 [sflag:s22], $0x2000  }
0xd3: {  	[sflag:s22] =	ssyncset.done @!p2 $0x0  }
0xd4: {  	[sflag:s22] =	ssyncadd.s32 @!p2 $0xFFFFE000  }
.LBB2_5:
0xd5: {  	s21 =	sadd.s32 s7, s21  }
0xd6: {  	p4 =	sgt.u32 s21, $0x1E83  }
0xd7: {  	s21 =	sshll.u32 @!p4 s21, $0x7;
	s22 =	simm.s32 @!p4 $0x400  }
0xd8: {  	s23 =	simm.s32 @!p4 $0x7A1400;
	s24 =	simm.s32 @!p4 $0x0;
	s21 =	sadd.s32 @!p4 s1, s21  }
0xd9: {  	[tilespmem:s24], [sflag:$0x1] =	stream.strided.gather @!p4 [hbm4b:s21+s22], $0x2000, s23, s22, $0x38;
	[tilespmem:$0xE000] =	vst v63  }
.Ltmp7:
0xda: {  	_ = 	snop;
	(pc) =	sbr.rel @p2 .LBB2_8-.Ltmp7, $4  }
0xdb: {  	s21 =	simm.s32 @!p3 $0x4  }
0xdc: {  	_ =	swait.ge @!p3 [sflag:s21], $0x4000  }
0xdd: {  	[sflag:s21] =	ssyncset.done @!p3 $0x0  }
0xde: {  	[sflag:s21] =	ssyncadd.s32 @!p3 $0xFFFFC000;
	s21 =	simm.s32 $0x0  }
.LBB2_6:
0xdf: {  	v24 =	vmov s21  }
0xe0: {  	s22 =	sadd.s32 $0x1, s21;
	v24 =	vshll.u32 v24, $0x7  }
0xe1: {  	v25 =	vadd.s32 s22, v0;
	v26 =	vor.u32 v2, v24  }
0xe2: {  	s25 =	sadd.s32 $0x2, s21;
	v29 =	vand.u32 $0x3F, v25;
	v24 =	vor.u32 v0, v26  }
0xe3: {  	s26 =	sadd.s32 $0x3, s21;
	v27 =	vadd.s32 s25, v0;
	v25 =	vshll.u32 v29, $0x7  }
0xe4: {  	v32 =	vadd.s32 s26, v0;
	v27 =	vand.u32 $0x3F, v27;
	v28 =	vor.u32 v0, v25  }
0xe5: {  	v34 =	vand.u32 $0x3F, v32;
	v31 =	vshll.u32 v27, $0x7  }
0xe6: {  	v32 =	vshll.u32 v34, $0x7;
	v30 =	vor.u32 v0, v31  }
0xe7: {  	v33 =	vor.u32 s21, v1;
	v39 =	vor.u32 v0, v32;
	v24 =	vld.idx.msk [tilespmem:v24+s14+$0x0], $0xffff  }
0xe8: {  	v35 =	vor.u32 v3, v26  }
0xe9: {  	v36 =	vor.u32 v2, v29;
	v28 =	vld.idx.msk [tilespmem:v28+s14+$0x0], $0xffff  }
0xea: {  	v37 =	vor.u32 v3, v25  }
0xeb: {  	v38 =	vor.u32 v2, v27;
	v30 =	vld.idx.msk [tilespmem:v30+s14+$0x0], $0xffff  }
0xec: {  	v60 =	vor.u32 v2, v34;
	v40 =	vor.u32 v3, v31;
	v59 =	vld.idx.msk [tilespmem:v39+s14+$0x0], $0xffff;
	[tilespmem:v33+s15+$0x0] =	vst.idx.msk $0xffff, v24  }
0xed: {  	v54 =	vor.u32 s21, v4;
	v41 =	vor.u32 v3, v32;
	v24 =	vld.idx.msk [tilespmem:v35+s14+$0x0], $0xffff  }
0xee: {  	v55 =	vor.u32 v5, v26;
	[tilespmem:v36+s15+$0x0] =	vst.idx.msk $0xffff, v28  }
0xef: {  	v57 =	vor.u32 v17, v29;
	v56 =	vld.idx.msk [tilespmem:v37+s14+$0x0], $0xffff  }
0xf0: {  	v58 =	vor.u32 v5, v25;
	[tilespmem:v38+s15+$0x0] =	vst.idx.msk $0xffff, v30  }
0xf1: {  	v62 =	vor.u32 v17, v27;
	[tilespmem:v60+s15+$0x0] =	vst.idx.msk $0xffff, v59;
	v61 =	vld.idx.msk [tilespmem:v40+s14+$0x0], $0xffff  }
0xf2: {  	v49 =	vor.u32 v17, v34;
	v42 =	vor.u32 v5, v31;
	v48 =	vld.idx.msk [tilespmem:v41+s14+$0x0], $0xffff;
	[tilespmem:v54+s15+$0x0] =	vst.idx.msk $0xffff, v24  }
0xf3: {  	v63 =	vor.u32 s21, v6;
	v51 =	vor.u32 v5, v32;
	v24 =	vld.idx.msk [tilespmem:v55+s14+$0x0], $0xffff  }
0xf4: {  	v45 =	vor.u32 v7, v26;
	[tilespmem:v57+s15+$0x0] =	vst.idx.msk $0xffff, v56  }
0xf5: {  	v46 =	vor.u32 v18, v29;
	v35 =	vld.idx.msk [tilespmem:v58+s14+$0x0], $0xffff  }
0xf6: {  	v47 =	vor.u32 v7, v25;
	[tilespmem:v62+s15+$0x0] =	vst.idx.msk $0xffff, v61  }
0xf7: {  	v50 =	vor.u32 v18, v27;
	[tilespmem:v49+s15+$0x0] =	vst.idx.msk $0xffff, v48;
	v39 =	vld.idx.msk [tilespmem:v42+s14+$0x0], $0xffff  }
0xf8: {  	v52 =	vor.u32 v7, v31;
	v57 =	vor.u32 v18, v34;
	v37 =	vld.idx.msk [tilespmem:v51+s14+$0x0], $0xffff;
	[tilespmem:v63+s15+$0x0] =	vst.idx.msk $0xffff, v24  }
0xf9: {  	v53 =	vor.u32 s21, v8;
	v59 =	vor.u32 v7, v32;
	v24 =	vld.idx.msk [tilespmem:v45+s14+$0x0], $0xffff  }
0xfa: {  	v54 =	vor.u32 v9, v26;
	[tilespmem:v46+s15+$0x0] =	vst.idx.msk $0xffff, v35  }
0xfb: {  	v55 =	vor.u32 v19, v29;
	v30 =	vld.idx.msk [tilespmem:v47+s14+$0x0], $0xffff  }
0xfc: {  	v56 =	vor.u32 v9, v25;
	[tilespmem:v50+s15+$0x0] =	vst.idx.msk $0xffff, v39  }
0xfd: {  	v58 =	vor.u32 v19, v27;
	[tilespmem:v57+s15+$0x0] =	vst.idx.msk $0xffff, v37;
	v39 =	vld.idx.msk [tilespmem:v52+s14+$0x0], $0xffff  }
0xfe: {  	v60 =	vor.u32 v9, v31;
	v50 =	vor.u32 v19, v34;
	v37 =	vld.idx.msk [tilespmem:v59+s14+$0x0], $0xffff;
	[tilespmem:v53+s15+$0x0] =	vst.idx.msk $0xffff, v24  }
0xff: {  	v61 =	vor.u32 s21, v10;
	v52 =	vor.u32 v9, v32;
	v24 =	vld.idx.msk [tilespmem:v54+s14+$0x0], $0xffff  }
0x100: {  	v62 =	vor.u32 v11, v26;
	[tilespmem:v55+s15+$0x0] =	vst.idx.msk $0xffff, v30  }
0x101: {  	v48 =	vor.u32 v20, v29;
	v63 =	vld.idx.msk [tilespmem:v56+s14+$0x0], $0xffff  }
0x102: {  	s28 =	sadd.s32 $0x4, s21;
	v49 =	vor.u32 v11, v25;
	[tilespmem:v58+s15+$0x0] =	vst.idx.msk $0xffff, v39  }
0x103: {  	v51 =	vor.u32 v20, v27;
	v57 =	vadd.s32 s28, v0;
	[tilespmem:v50+s15+$0x0] =	vst.idx.msk $0xffff, v37;
	v39 =	vld.idx.msk [tilespmem:v60+s14+$0x0], $0xffff  }
0x104: {  	v53 =	vor.u32 v11, v31;
	v37 =	vld.idx.msk [tilespmem:v52+s14+$0x0], $0xffff;
	v56 =	vor.u32 v20, v34;
	[tilespmem:v61+s15+$0x0] =	vst.idx.msk $0xffff, v24  }
0x105: {  	v43 =	vor.u32 s21, v12;
	v59 =	vor.u32 v11, v32;
	v24 =	vand.u32 $0x3F, v57;
	v30 =	vld.idx.msk [tilespmem:v62+s14+$0x0], $0xffff  }
0x106: {  	v44 =	vor.u32 v13, v26;
	[tilespmem:v48+s15+$0x0] =	vst.idx.msk $0xffff, v63;
	v28 =	vshll.u32 v24, $0x7  }
0x107: {  	v54 =	vor.u32 v21, v29;
	v33 =	vld.idx.msk [tilespmem:v49+s14+$0x0], $0xffff;
	v61 =	vor.u32 v0, v28  }
0x108: {  	v40 =	vor.u32 v23, v27;
	v55 =	vor.u32 v13, v25;
	[tilespmem:v51+s15+$0x0] =	vst.idx.msk $0xffff, v39  }
0x109: {  	v26 =	vor.u32 v15, v26;
	v58 =	vor.u32 v21, v27;
	[tilespmem:v56+s15+$0x0] =	vst.idx.msk $0xffff, v37;
	v39 =	vld.idx.msk [tilespmem:v53+s14+$0x0], $0xffff  }
0x10a: {  	v60 =	vor.u32 v13, v31;
	v48 =	vld.idx.msk [tilespmem:v59+s14+$0x0], $0xffff;
	v49 =	vor.u32 v21, v34;
	[tilespmem:v43+s15+$0x0] =	vst.idx.msk $0xffff, v30  }
0x10b: {  	s29 =	sadd.s32 $0x5, s21;
	v52 =	vor.u32 v13, v32;
	v62 =	vor.u32 s21, v14;
	v63 =	vor.u32 v22, v29;
	v43 =	vld.idx.msk [tilespmem:v44+s14+$0x0], $0xffff  }
0x10c: {  	v47 =	vor.u32 s21, v16;
	v46 =	vor.u32 v2, v24;
	v53 =	vadd.s32 s29, v0;
	[tilespmem:v54+s15+$0x0] =	vst.idx.msk $0xffff, v33;
	v45 =	vld.idx.msk [tilespmem:v61+s14+$0x0], $0xffff  }
0x10d: {  	s30 =	sadd.s32 $0x6, s21;
	v54 =	vor.u32 v15, v25;
	v25 =	vand.u32 $0x3F, v53;
	v33 =	vld.idx.msk [tilespmem:v55+s14+$0x0], $0xffff;
	v55 =	vor.u32 v3, v28  }
0x10e: {  	v51 =	vor.u32 v22, v27;
	v56 =	vadd.s32 s30, v0;
	[tilespmem:v58+s15+$0x0] =	vst.idx.msk $0xffff, v39;
	v30 =	vshll.u32 v25, $0x7  }
0x10f: {  	v59 =	vor.u32 v22, v34;
	[tilespmem:v49+s15+$0x0] =	vst.idx.msk $0xffff, v48;
	v50 =	vld.idx.msk [tilespmem:v60+s14+$0x0], $0xffff;
	v57 =	vor.u32 v0, v30  }
0x110: {  	v58 =	vor.u32 v15, v31;
	v61 =	vor.u32 v15, v32;
	v36 =	vld.idx.msk [tilespmem:v52+s14+$0x0], $0xffff;
	[tilespmem:v62+s15+$0x0] =	vst.idx.msk $0xffff, v43  }
0x111: {  	v48 =	vor.u32 v2, v25;
	v49 =	vor.u32 v3, v30;
	[tilespmem:v46+s15+$0x0] =	vst.idx.msk $0xffff, v45;
	v44 =	vld.idx.msk [tilespmem:v26+s14+$0x0], $0xffff  }
0x112: {  	v62 =	vor.u32 v17, v24;
	[tilespmem:v63+s15+$0x0] =	vst.idx.msk $0xffff, v33;
	v26 =	vand.u32 $0x3F, v56;
	v41 =	vld.idx.msk [tilespmem:v55+s14+$0x0], $0xffff  }
0x113: {  	s23 =	sadd.s32 $0x8, s21;
	v43 =	vor.u32 v23, v29;
	v63 =	vor.u32 v5, v28;
	v29 =	vshll.u32 v26, $0x7;
	v39 =	vld.idx.msk [tilespmem:v54+s14+$0x0], $0xffff  }
0x114: {  	s31 =	sadd.s32 $0x7, s21;
	s24 =	sadd.s32 $0x9, s21;
	[tilespmem:v51+s15+$0x0] =	vst.idx.msk $0xffff, v50;
	v56 =	vadd.s32 s23, v0;
	v55 =	vld.idx.msk [tilespmem:v57+s14+$0x0], $0xffff;
	v60 =	vor.u32 v0, v29  }
0x115: {  	[tilespmem:v59+s15+$0x0] =	vst.idx.msk $0xffff, v36;
	v59 =	vadd.s32 s24, v0;
	v54 =	vadd.s32 s31, v0;
	v50 =	vld.idx.msk [tilespmem:v58+s14+$0x0], $0xffff;
	v32 =	vand.u32 $0x3F, v56  }
0x116: {  	v27 =	vand.u32 $0x3F, v59;
	v31 =	vand.u32 $0x3F, v54;
	v35 =	vshll.u32 v32, $0x7;
	[tilespmem:v47+s15+$0x0] =	vst.idx.msk $0xffff, v44;
	v44 =	vld.idx.msk [tilespmem:v61+s14+$0x0], $0xffff  }
0x117: {  	v61 =	vor.u32 v23, v34;
	[tilespmem:v62+s15+$0x0] =	vst.idx.msk $0xffff, v41;
	v62 =	vor.u32 v0, v35;
	v34 =	vshll.u32 v27, $0x7  }
0x118: {  	v33 =	vshll.u32 v31, $0x7;
	v42 =	vld.idx.msk [tilespmem:v63+s14+$0x0], $0xffff;
	v63 =	vor.u32 v18, v24;
	v52 =	vor.u32 v0, v34  }
0x119: {  	v51 =	vor.u32 v2, v26;
	v58 =	vor.u32 v0, v33;
	[tilespmem:v48+s15+$0x0] =	vst.idx.msk $0xffff, v55;
	v57 =	vld.idx.msk [tilespmem:v60+s14+$0x0], $0xffff  }
0x11a: {  	v53 =	vor.u32 v7, v28;
	v55 =	vor.u32 v17, v25;
	v54 =	vld.idx.msk [tilespmem:v49+s14+$0x0], $0xffff  }
0x11b: {  	v60 =	vor.u32 v3, v29  }
0x11c: {  	[tilespmem:v43+s15+$0x0] =	vst.idx.msk $0xffff, v39;
	v41 =	vld.idx.msk [tilespmem:v62+s14+$0x0], $0xffff;
	v62 =	vor.u32 v2, v32  }
0x11d: {  	v56 =	vor.u32 v5, v30;
	[tilespmem:v63+s15+$0x0] =	vst.idx.msk $0xffff, v42;
	v63 =	vld.idx.msk [tilespmem:v52+s14+$0x0], $0xffff;
	v52 =	vor.u32 v2, v27  }
0x11e: {  	v37 =	vld.idx.msk [tilespmem:v58+s14+$0x0], $0xffff;
	v42 =	vor.u32 v3, v35;
	[tilespmem:v51+s15+$0x0] =	vst.idx.msk $0xffff, v57;
	v57 =	vor.u32 v2, v31  }
0x11f: {  	v39 =	vld.idx.msk [tilespmem:v53+s14+$0x0], $0xffff;
	[tilespmem:v55+s15+$0x0] =	vst.idx.msk $0xffff, v54;
	v53 =	vor.u32 v19, v24;
	v54 =	vor.u32 v3, v34  }
0x120: {  	v59 =	vor.u32 v17, v26;
	[tilespmem:v61+s15+$0x0] =	vst.idx.msk $0xffff, v44;
	v58 =	vld.idx.msk [tilespmem:v60+s14+$0x0], $0xffff;
	v60 =	vor.u32 v3, v33  }
0x121: {  	v55 =	vor.u32 v9, v28;
	[tilespmem:v62+s15+$0x0] =	vst.idx.msk $0xffff, v41  }
0x122: {  	v61 =	vor.u32 v5, v29;
	v36 =	vld.idx.msk [tilespmem:v56+s14+$0x0], $0xffff;
	v56 =	vor.u32 v18, v25;
	[tilespmem:v52+s15+$0x0] =	vst.idx.msk $0xffff, v63  }
0x123: {  	v42 =	vld.idx.msk [tilespmem:v42+s14+$0x0], $0xffff;
	v63 =	vor.u32 v17, v32;
	[tilespmem:v57+s15+$0x0] =	vst.idx.msk $0xffff, v37  }
0x124: {  	v57 =	vor.u32 v7, v30;
	[tilespmem:v53+s15+$0x0] =	vst.idx.msk $0xffff, v39;
	v52 =	vld.idx.msk [tilespmem:v54+s14+$0x0], $0xffff;
	v53 =	vor.u32 v17, v27  }
0x125: {  	v39 =	vor.u32 v5, v35;
	[tilespmem:v59+s15+$0x0] =	vst.idx.msk $0xffff, v58;
	v58 =	vld.idx.msk [tilespmem:v60+s14+$0x0], $0xffff;
	v59 =	vor.u32 v17, v31  }
0x126: {  	[tilespmem:v40+s15+$0x0] =	vst.idx.msk $0xffff, v50;
	v54 =	vor.u32 v20, v24;
	v37 =	vld.idx.msk [tilespmem:v55+s14+$0x0], $0xffff;
	v55 =	vor.u32 v5, v34  }
0x127: {  	v60 =	vor.u32 v18, v26;
	[tilespmem:v56+s15+$0x0] =	vst.idx.msk $0xffff, v36;
	v38 =	vld.idx.msk [tilespmem:v61+s14+$0x0], $0xffff;
	v61 =	vor.u32 v5, v33  }
0x128: {  	v62 =	vor.u32 v7, v29;
	[tilespmem:v63+s15+$0x0] =	vst.idx.msk $0xffff, v42  }
0x129: {  	v40 =	vld.idx.msk [tilespmem:v57+s14+$0x0], $0xffff;
	v57 =	vor.u32 v19, v25;
	[tilespmem:v53+s15+$0x0] =	vst.idx.msk $0xffff, v52  }
0x12a: {  	v56 =	vor.u32 v11, v28;
	v39 =	vld.idx.msk [tilespmem:v39+s14+$0x0], $0xffff;
	v52 =	vor.u32 v18, v32;
	[tilespmem:v59+s15+$0x0] =	vst.idx.msk $0xffff, v58  }
0x12b: {  	v58 =	vor.u32 v9, v30;
	[tilespmem:v54+s15+$0x0] =	vst.idx.msk $0xffff, v37;
	v53 =	vld.idx.msk [tilespmem:v55+s14+$0x0], $0xffff;
	v54 =	vor.u32 v18, v27  }
0x12c: {  	v36 =	vor.u32 v7, v35;
	[tilespmem:v60+s15+$0x0] =	vst.idx.msk $0xffff, v38;
	v59 =	vld.idx.msk [tilespmem:v61+s14+$0x0], $0xffff;
	v60 =	vor.u32 v18, v31  }
0x12d: {  	v61 =	vor.u32 v19, v26;
	v45 =	vld.idx.msk [tilespmem:v62+s14+$0x0], $0xffff;
	v62 =	vor.u32 v7, v33  }
0x12e: {  	v63 =	vor.u32 v9, v29;
	[tilespmem:v57+s15+$0x0] =	vst.idx.msk $0xffff, v40  }
0x12f: {  	v55 =	vor.u32 v21, v24;
	v47 =	vld.idx.msk [tilespmem:v56+s14+$0x0], $0xffff;
	v56 =	vor.u32 v7, v34;
	[tilespmem:v52+s15+$0x0] =	vst.idx.msk $0xffff, v39  }
0x130: {  	v38 =	vld.idx.msk [tilespmem:v58+s14+$0x0], $0xffff;
	v58 =	vor.u32 v20, v25;
	[tilespmem:v54+s15+$0x0] =	vst.idx.msk $0xffff, v53  }
0x131: {  	v36 =	vld.idx.msk [tilespmem:v36+s14+$0x0], $0xffff;
	v53 =	vor.u32 v19, v32;
	[tilespmem:v60+s15+$0x0] =	vst.idx.msk $0xffff, v59;
	v59 =	vor.u32 v11, v30  }
0x132: {  	v54 =	vor.u32 v9, v35;
	[tilespmem:v61+s15+$0x0] =	vst.idx.msk $0xffff, v45;
	v60 =	vld.idx.msk [tilespmem:v62+s14+$0x0], $0xffff;
	v61 =	vor.u32 v19, v31  }
0x133: {  	v62 =	vor.u32 v20, v26;
	v43 =	vld.idx.msk [tilespmem:v63+s14+$0x0], $0xffff;
	v63 =	vor.u32 v9, v33  }
0x134: {  	v52 =	vor.u32 v11, v29;
	[tilespmem:v55+s15+$0x0] =	vst.idx.msk $0xffff, v47;
	v55 =	vld.idx.msk [tilespmem:v56+s14+$0x0], $0xffff;
	v56 =	vor.u32 v19, v27  }
0x135: {  	[tilespmem:v58+s15+$0x0] =	vst.idx.msk $0xffff, v38;
	v58 =	vor.u32 v9, v34  }
0x136: {  	v50 =	vor.u32 v11, v35;
	v57 =	vor.u32 v13, v28;
	[tilespmem:v53+s15+$0x0] =	vst.idx.msk $0xffff, v36;
	v42 =	vld.idx.msk [tilespmem:v59+s14+$0x0], $0xffff  }
0x137: {  	v48 =	vor.u32 v23, v26;
	v59 =	vor.u32 v21, v25;
	v36 =	vld.idx.msk [tilespmem:v54+s14+$0x0], $0xffff;
	[tilespmem:v61+s15+$0x0] =	vst.idx.msk $0xffff, v60  }
0x138: {  	v49 =	vor.u32 v20, v32;
	v28 =	vor.u32 v15, v28;
	[tilespmem:v62+s15+$0x0] =	vst.idx.msk $0xffff, v43;
	v60 =	vld.idx.msk [tilespmem:v63+s14+$0x0], $0xffff  }
0x139: {  	v40 =	vor.u32 v22, v26;
	[tilespmem:v56+s15+$0x0] =	vst.idx.msk $0xffff, v55;
	v61 =	vor.u32 v20, v31;
	v37 =	vld.idx.msk [tilespmem:v52+s14+$0x0], $0xffff  }
0x13a: {  	v47 =	vor.u32 v23, v24;
	v63 =	vor.u32 v11, v33;
	v52 =	vor.u32 v20, v27;
	v51 =	vld.idx.msk [tilespmem:v58+s14+$0x0], $0xffff  }
0x13b: {  	v45 =	vor.u32 v22, v25;
	v41 =	vld.idx.msk [tilespmem:v57+s14+$0x0], $0xffff;
	v57 =	vor.u32 v22, v24;
	v53 =	vor.u32 v11, v34  }
0x13c: {  	v38 =	vor.u32 v23, v32;
	v62 =	vor.u32 v21, v26;
	[tilespmem:v59+s15+$0x0] =	vst.idx.msk $0xffff, v42  }
0x13d: {  	v54 =	vor.u32 v13, v30;
	v55 =	vor.u32 v13, v29;
	[tilespmem:v49+s15+$0x0] =	vst.idx.msk $0xffff, v36  }
0x13e: {  	v56 =	vor.u32 v21, v31;
	v59 =	vor.u32 v21, v32;
	v58 =	vld.idx.msk [tilespmem:v50+s14+$0x0], $0xffff;
	[tilespmem:v61+s15+$0x0] =	vst.idx.msk $0xffff, v60  }
0x13f: {  	v30 =	vor.u32 v15, v30;
	v60 =	vor.u32 v13, v35;
	v39 =	vld.idx.msk [tilespmem:v63+s14+$0x0], $0xffff;
	[tilespmem:v52+s15+$0x0] =	vst.idx.msk $0xffff, v51  }
0x140: {  	[tilespmem:v57+s15+$0x0] =	vst.idx.msk $0xffff, v41;
	v57 =	vor.u32 v13, v33;
	v61 =	vor.u32 v21, v27;
	v24 =	vld.idx.msk [tilespmem:v53+s14+$0x0], $0xffff  }
0x141: {  	v29 =	vor.u32 v15, v29;
	v28 =	vld.idx.msk [tilespmem:v28+s14+$0x0], $0xffff;
	[tilespmem:v62+s15+$0x0] =	vst.idx.msk $0xffff, v37;
	v62 =	vor.u32 v13, v34  }
0x142: {  	v43 =	vor.u32 v15, v33;
	v36 =	vor.u32 v23, v25;
	v49 =	vor.u32 v23, v31;
	v42 =	vld.idx.msk [tilespmem:v54+s14+$0x0], $0xffff  }
0x143: {  	s25 =	sadd.s32 $0xA, s21;
	s30 =	sadd.s32 $0xE, s21;
	v50 =	vor.u32 v22, v32;
	v54 =	vor.u32 v22, v27;
	v37 =	vld.idx.msk [tilespmem:v55+s14+$0x0], $0xffff;
	[tilespmem:v59+s15+$0x0] =	vst.idx.msk $0xffff, v58  }
0x144: {  	s28 =	sadd.s32 $0xC, s21;
	s31 =	sadd.s32 $0xF, s21;
	v35 =	vor.u32 v15, v35;
	v55 =	vadd.s32 s25, v0;
	v52 =	vadd.s32 s30, v0;
	v41 =	vld.idx.msk [tilespmem:v60+s14+$0x0], $0xffff;
	[tilespmem:v56+s15+$0x0] =	vst.idx.msk $0xffff, v39  }
0x145: {  	s26 =	sadd.s32 $0xB, s21;
	v63 =	vor.u32 v22, v31;
	v53 =	vadd.s32 s31, v0;
	v59 =	vadd.s32 s28, v0;
	v46 =	vld.idx.msk [tilespmem:v57+s14+$0x0], $0xffff;
	[tilespmem:v61+s15+$0x0] =	vst.idx.msk $0xffff, v24  }
0x146: {  	[tilespmem:v47+s15+$0x0] =	vst.idx.msk $0xffff, v28;
	v26 =	vand.u32 $0x3F, v59;
	v57 =	vadd.s32 s26, v0;
	v24 =	vand.u32 $0x3F, v55;
	v58 =	vld.idx.msk [tilespmem:v62+s14+$0x0], $0xffff  }
0x147: {  	s29 =	sadd.s32 $0xD, s21;
	[tilespmem:v45+s15+$0x0] =	vst.idx.msk $0xffff, v42;
	v56 =	vor.u32 v15, v34;
	v25 =	vand.u32 $0x3F, v57;
	v31 =	vshll.u32 v24, $0x7  }
0x148: {  	v45 =	vld.idx.msk [tilespmem:v30+s14+$0x0], $0xffff;
	[tilespmem:v40+s15+$0x0] =	vst.idx.msk $0xffff, v37;
	v32 =	vshll.u32 v25, $0x7;
	v62 =	vadd.s32 s29, v0;
	v60 =	vor.u32 v0, v31  }
0x149: {  	v33 =	vshll.u32 v26, $0x7;
	v40 =	vld.idx.msk [tilespmem:v29+s14+$0x0], $0xffff;
	v61 =	vor.u32 v0, v32;
	v28 =	vand.u32 $0x3F, v62;
	[tilespmem:v50+s15+$0x0] =	vst.idx.msk $0xffff, v41  }
0x14a: {  	v29 =	vand.u32 $0x3F, v52;
	v34 =	vshll.u32 v28, $0x7;
	v41 =	vld.idx.msk [tilespmem:v35+s14+$0x0], $0xffff;
	[tilespmem:v63+s15+$0x0] =	vst.idx.msk $0xffff, v46;
	v63 =	vor.u32 v0, v33  }
0x14b: {  	v30 =	vand.u32 $0x3F, v53;
	v35 =	vshll.u32 v29, $0x7;
	v43 =	vld.idx.msk [tilespmem:v43+s14+$0x0], $0xffff;
	[tilespmem:v54+s15+$0x0] =	vst.idx.msk $0xffff, v58;
	v54 =	vor.u32 v0, v34  }
0x14c: {  	v55 =	vor.u32 v23, v27;
	v27 =	vshll.u32 v30, $0x7;
	v44 =	vld.idx.msk [tilespmem:v56+s14+$0x0], $0xffff;
	v56 =	vor.u32 v0, v35  }
0x14d: {  	v59 =	vor.u32 v0, v27;
	[tilespmem:v36+s15+$0x0] =	vst.idx.msk $0xffff, v45;
	v58 =	vor.u32 v2, v24;
	v57 =	vld.idx.msk [tilespmem:v60+s14+$0x0], $0xffff  }
0x14e: {  	[tilespmem:v48+s15+$0x0] =	vst.idx.msk $0xffff, v40;
	v60 =	vor.u32 v3, v31;
	v37 =	vld.idx.msk [tilespmem:v61+s14+$0x0], $0xffff;
	v61 =	vor.u32 v2, v25  }
0x14f: {  	v62 =	vor.u32 v3, v32;
	[tilespmem:v38+s15+$0x0] =	vst.idx.msk $0xffff, v41;
	v39 =	vld.idx.msk [tilespmem:v63+s14+$0x0], $0xffff;
	v63 =	vor.u32 v2, v26  }
0x150: {  	v53 =	vor.u32 v2, v28;
	v38 =	vor.u32 v3, v33;
	[tilespmem:v49+s15+$0x0] =	vst.idx.msk $0xffff, v43;
	v52 =	vld.idx.msk [tilespmem:v54+s14+$0x0], $0xffff  }
0x151: {  	[tilespmem:v55+s15+$0x0] =	vst.idx.msk $0xffff, v44;
	v44 =	vor.u32 v3, v34;
	v54 =	vld.idx.msk [tilespmem:v56+s14+$0x0], $0xffff;
	v55 =	vor.u32 v2, v29  }
0x152: {  	[tilespmem:v58+s15+$0x0] =	vst.idx.msk $0xffff, v57;
	v56 =	vor.u32 v3, v35;
	v57 =	vld.idx.msk [tilespmem:v59+s14+$0x0], $0xffff;
	v58 =	vor.u32 v2, v30  }
0x153: {  	[tilespmem:v61+s15+$0x0] =	vst.idx.msk $0xffff, v37;
	v59 =	vor.u32 v17, v24;
	v40 =	vld.idx.msk [tilespmem:v60+s14+$0x0], $0xffff;
	v60 =	vor.u32 v3, v27  }
0x154: {  	v61 =	vor.u32 v5, v31;
	v43 =	vld.idx.msk [tilespmem:v62+s14+$0x0], $0xffff;
	v62 =	vor.u32 v17, v25;
	[tilespmem:v63+s15+$0x0] =	vst.idx.msk $0xffff, v39  }
0x155: {  	v63 =	vor.u32 v5, v32;
	v38 =	vld.idx.msk [tilespmem:v38+s14+$0x0], $0xffff;
	[tilespmem:v53+s15+$0x0] =	vst.idx.msk $0xffff, v52;
	v52 =	vor.u32 v17, v26  }
0x156: {  	v53 =	vor.u32 v5, v33;
	[tilespmem:v55+s15+$0x0] =	vst.idx.msk $0xffff, v54;
	v44 =	vld.idx.msk [tilespmem:v44+s14+$0x0], $0xffff;
	v54 =	vor.u32 v17, v28  }
0x157: {  	[tilespmem:v58+s15+$0x0] =	vst.idx.msk $0xffff, v57;
	v55 =	vor.u32 v5, v34;
	v36 =	vld.idx.msk [tilespmem:v56+s14+$0x0], $0xffff;
	v56 =	vor.u32 v17, v29  }
0x158: {  	v57 =	vor.u32 v5, v35;
	[tilespmem:v59+s15+$0x0] =	vst.idx.msk $0xffff, v40;
	v58 =	vld.idx.msk [tilespmem:v60+s14+$0x0], $0xffff;
	v59 =	vor.u32 v17, v30  }
0x159: {  	[tilespmem:v62+s15+$0x0] =	vst.idx.msk $0xffff, v43;
	v60 =	vor.u32 v18, v24;
	v39 =	vld.idx.msk [tilespmem:v61+s14+$0x0], $0xffff;
	v61 =	vor.u32 v5, v27  }
0x15a: {  	v62 =	vor.u32 v7, v31;
	v41 =	vld.idx.msk [tilespmem:v63+s14+$0x0], $0xffff;
	v63 =	vor.u32 v18, v25;
	[tilespmem:v52+s15+$0x0] =	vst.idx.msk $0xffff, v38  }
0x15b: {  	v52 =	vor.u32 v7, v32;
	[tilespmem:v54+s15+$0x0] =	vst.idx.msk $0xffff, v44;
	v47 =	vld.idx.msk [tilespmem:v53+s14+$0x0], $0xffff;
	v53 =	vor.u32 v18, v26  }
0x15c: {  	v54 =	vor.u32 v7, v33;
	[tilespmem:v56+s15+$0x0] =	vst.idx.msk $0xffff, v36;
	v42 =	vld.idx.msk [tilespmem:v55+s14+$0x0], $0xffff;
	v55 =	vor.u32 v18, v28  }
0x15d: {  	[tilespmem:v59+s15+$0x0] =	vst.idx.msk $0xffff, v58;
	v56 =	vor.u32 v7, v34;
	v37 =	vld.idx.msk [tilespmem:v57+s14+$0x0], $0xffff;
	v57 =	vor.u32 v18, v29  }
0x15e: {  	v58 =	vor.u32 v7, v35;
	[tilespmem:v60+s15+$0x0] =	vst.idx.msk $0xffff, v39;
	v59 =	vld.idx.msk [tilespmem:v61+s14+$0x0], $0xffff;
	v60 =	vor.u32 v18, v30  }
0x15f: {  	[tilespmem:v63+s15+$0x0] =	vst.idx.msk $0xffff, v41;
	v61 =	vor.u32 v19, v24;
	v38 =	vld.idx.msk [tilespmem:v62+s14+$0x0], $0xffff;
	v62 =	vor.u32 v7, v27  }
0x160: {  	v63 =	vor.u32 v9, v31;
	v44 =	vld.idx.msk [tilespmem:v52+s14+$0x0], $0xffff;
	v52 =	vor.u32 v19, v25;
	[tilespmem:v53+s15+$0x0] =	vst.idx.msk $0xffff, v47  }
0x161: {  	v53 =	vor.u32 v9, v32;
	[tilespmem:v55+s15+$0x0] =	vst.idx.msk $0xffff, v42;
	v36 =	vld.idx.msk [tilespmem:v54+s14+$0x0], $0xffff;
	v54 =	vor.u32 v19, v26  }
0x162: {  	v55 =	vor.u32 v9, v33;
	[tilespmem:v57+s15+$0x0] =	vst.idx.msk $0xffff, v37;
	v40 =	vld.idx.msk [tilespmem:v56+s14+$0x0], $0xffff;
	v56 =	vor.u32 v19, v28  }
0x163: {  	[tilespmem:v60+s15+$0x0] =	vst.idx.msk $0xffff, v59;
	v57 =	vor.u32 v9, v34;
	v39 =	vld.idx.msk [tilespmem:v58+s14+$0x0], $0xffff;
	v58 =	vor.u32 v19, v29  }
0x164: {  	v59 =	vor.u32 v9, v35;
	[tilespmem:v61+s15+$0x0] =	vst.idx.msk $0xffff, v38;
	v60 =	vld.idx.msk [tilespmem:v62+s14+$0x0], $0xffff;
	v61 =	vor.u32 v19, v30  }
0x165: {  	v62 =	vor.u32 v20, v24;
	v47 =	vld.idx.msk [tilespmem:v63+s14+$0x0], $0xffff;
	[tilespmem:v52+s15+$0x0] =	vst.idx.msk $0xffff, v44;
	v63 =	vor.u32 v9, v27  }
0x166: {  	v52 =	vor.u32 v11, v31;
	v42 =	vld.idx.msk [tilespmem:v53+s14+$0x0], $0xffff;
	v53 =	vor.u32 v20, v25;
	[tilespmem:v54+s15+$0x0] =	vst.idx.msk $0xffff, v36  }
0x167: {  	v54 =	vor.u32 v11, v32;
	[tilespmem:v56+s15+$0x0] =	vst.idx.msk $0xffff, v40;
	v37 =	vld.idx.msk [tilespmem:v55+s14+$0x0], $0xffff;
	v55 =	vor.u32 v20, v26  }
0x168: {  	v56 =	vor.u32 v11, v33;
	[tilespmem:v58+s15+$0x0] =	vst.idx.msk $0xffff, v39;
	v43 =	vld.idx.msk [tilespmem:v57+s14+$0x0], $0xffff;
	v57 =	vor.u32 v20, v28  }
0x169: {  	[tilespmem:v61+s15+$0x0] =	vst.idx.msk $0xffff, v60;
	v58 =	vor.u32 v11, v34;
	v38 =	vld.idx.msk [tilespmem:v59+s14+$0x0], $0xffff;
	v59 =	vor.u32 v20, v29  }
0x16a: {  	v60 =	vor.u32 v11, v35;
	[tilespmem:v62+s15+$0x0] =	vst.idx.msk $0xffff, v47;
	v61 =	vld.idx.msk [tilespmem:v63+s14+$0x0], $0xffff;
	v62 =	vor.u32 v20, v30  }
0x16b: {  	v63 =	vor.u32 v21, v24;
	v36 =	vld.idx.msk [tilespmem:v52+s14+$0x0], $0xffff;
	[tilespmem:v53+s15+$0x0] =	vst.idx.msk $0xffff, v42;
	v52 =	vor.u32 v11, v27  }
0x16c: {  	v53 =	vor.u32 v13, v31;
	v40 =	vld.idx.msk [tilespmem:v54+s14+$0x0], $0xffff;
	v54 =	vor.u32 v21, v25;
	[tilespmem:v55+s15+$0x0] =	vst.idx.msk $0xffff, v37  }
0x16d: {  	v55 =	vor.u32 v13, v32;
	[tilespmem:v57+s15+$0x0] =	vst.idx.msk $0xffff, v43;
	v39 =	vld.idx.msk [tilespmem:v56+s14+$0x0], $0xffff;
	v56 =	vor.u32 v21, v26  }
0x16e: {  	v57 =	vor.u32 v13, v33;
	[tilespmem:v59+s15+$0x0] =	vst.idx.msk $0xffff, v38;
	v41 =	vld.idx.msk [tilespmem:v58+s14+$0x0], $0xffff;
	v58 =	vor.u32 v21, v28  }
0x16f: {  	[tilespmem:v62+s15+$0x0] =	vst.idx.msk $0xffff, v61;
	v59 =	vor.u32 v13, v34;
	v44 =	vld.idx.msk [tilespmem:v60+s14+$0x0], $0xffff;
	v60 =	vor.u32 v21, v29  }
0x170: {  	v61 =	vor.u32 v13, v35;
	[tilespmem:v63+s15+$0x0] =	vst.idx.msk $0xffff, v36;
	v62 =	vld.idx.msk [tilespmem:v52+s14+$0x0], $0xffff;
	v63 =	vor.u32 v21, v30  }
0x171: {  	v52 =	vor.u32 v22, v24;
	v37 =	vld.idx.msk [tilespmem:v53+s14+$0x0], $0xffff;
	[tilespmem:v54+s15+$0x0] =	vst.idx.msk $0xffff, v40;
	v53 =	vor.u32 v13, v27  }
0x172: {  	v31 =	vor.u32 v15, v31;
	v54 =	vld.idx.msk [tilespmem:v55+s14+$0x0], $0xffff;
	v55 =	vor.u32 v22, v25;
	[tilespmem:v56+s15+$0x0] =	vst.idx.msk $0xffff, v39  }
0x173: {  	v32 =	vor.u32 v15, v32;
	v56 =	vor.u32 v22, v26;
	[tilespmem:v58+s15+$0x0] =	vst.idx.msk $0xffff, v41;
	v38 =	vld.idx.msk [tilespmem:v57+s14+$0x0], $0xffff  }
0x174: {  	v33 =	vor.u32 v15, v33;
	v58 =	vor.u32 v22, v28;
	[tilespmem:v60+s15+$0x0] =	vst.idx.msk $0xffff, v44;
	v57 =	vld.idx.msk [tilespmem:v59+s14+$0x0], $0xffff  }
0x175: {  	v34 =	vor.u32 v15, v34;
	[tilespmem:v63+s15+$0x0] =	vst.idx.msk $0xffff, v62;
	v59 =	vor.u32 v22, v29;
	v36 =	vld.idx.msk [tilespmem:v61+s14+$0x0], $0xffff  }
0x176: {  	v35 =	vor.u32 v15, v35;
	[tilespmem:v52+s15+$0x0] =	vst.idx.msk $0xffff, v37;
	v60 =	vld.idx.msk [tilespmem:v53+s14+$0x0], $0xffff;
	v61 =	vor.u32 v22, v30  }
0x177: {  	v24 =	vor.u32 v23, v24;
	v27 =	vor.u32 v15, v27;
	[tilespmem:v55+s15+$0x0] =	vst.idx.msk $0xffff, v54;
	v31 =	vld.idx.msk [tilespmem:v31+s14+$0x0], $0xffff  }
0x178: {  	v25 =	vor.u32 v23, v25;
	v32 =	vld.idx.msk [tilespmem:v32+s14+$0x0], $0xffff;
	[tilespmem:v56+s15+$0x0] =	vst.idx.msk $0xffff, v38  }
0x179: {  	v26 =	vor.u32 v23, v26;
	[tilespmem:v58+s15+$0x0] =	vst.idx.msk $0xffff, v57;
	v33 =	vld.idx.msk [tilespmem:v33+s14+$0x0], $0xffff  }
0x17a: {  	v28 =	vor.u32 v23, v28;
	[tilespmem:v59+s15+$0x0] =	vst.idx.msk $0xffff, v36;
	v34 =	vld.idx.msk [tilespmem:v34+s14+$0x0], $0xffff  }
0x17b: {  	v29 =	vor.u32 v23, v29;
	[tilespmem:v61+s15+$0x0] =	vst.idx.msk $0xffff, v60;
	v35 =	vld.idx.msk [tilespmem:v35+s14+$0x0], $0xffff  }
0x17c: {  	p2 =	slt.u32 s21, $0x30;
	v63 =	vor.u32 v23, v30;
	[tilespmem:v24+s15+$0x0] =	vst.idx.msk $0xffff, v31;
	v62 =	vld.idx.msk [tilespmem:v27+s14+$0x0], $0xffff  }
.Ltmp8:
0x17d: {  	[tilespmem:v25+s15+$0x0] =	vst.idx.msk $0xffff, v32;
	(pc) =	sbr.rel @p2 .LBB2_6-.Ltmp8, $4  }
0x17e: {  	[tilespmem:v26+s15+$0x0] =	vst.idx.msk $0xffff, v33  }
0x17f: {  	[tilespmem:v28+s15+$0x0] =	vst.idx.msk $0xffff, v34  }
0x180: {  	[tilespmem:v29+s15+$0x0] =	vst.idx.msk $0xffff, v35  }
0x181: {  	s21 =	sadd.s32 $0x10, s21;
	[tilespmem:v63+s15+$0x0] =	vst.idx.msk $0xffff, v62  }
.Ltmp9:
0x182: {  	(pc) =	sbr.rel .LBB2_8-.Ltmp9, $4  }
0x183: {  	_ = 	snop  }
0x184: {  	s20 =	sshll.u32 s20, $0xB  }
0x185: {  	s20 =	sadd.s32 s5, s20  }
0x186: {  	[hbm4b:s20+s3] =	stream.linear.scatter [tilespmem:s15], [sflag:$0x4], $0x4000, $0x38;
	[tilespmem:$0xE000] =	vst v63  }
.LBB2_10:
0x187: {  	s19 =	simm.s32 $0x0  }
0x188: {  	v24 =	vmov s19  }
0x189: {  	v24 =	vshll.u32 v24, $0x7  }
0x18a: {  	v25 =	vor.u32 v0, v24  }
0x18b: {  	[tilespmem:s16], [sflag:$0x5] =	stream.strided.gather [hbm4b:s9+s12], $0x2000, s11, s12, $0x38;
	[tilespmem:$0xE000] =	vst v63  }
0x18c: {  	_ =	swait.ge [sflag:s17], $0x2000  }
0x18d: {  	[sflag:s17] =	ssyncset.done $0x0  }
0x18e: {  	[sflag:s17] =	ssyncadd.s32 $0xFFFFE000  }
0x18f: {  	v26 =	vor.u32 s19, v2;
	v25 =	vld.idx.msk [tilespmem:v25+s16+$0x0], $0xffff  }
0x190: {  	v27 =	vor.u32 v3, v24;
	_ =	sdelay $0x3  }
0x191: {  	[tilespmem:v26+s13+$0x0] =	vst.idx.msk $0xffff, v25  }
0x192: {  	v26 =	vor.u32 s19, v17;
	v25 =	vld.idx.msk [tilespmem:v27+s16+$0x0], $0xffff  }
0x193: {  	v27 =	vor.u32 v5, v24;
	_ =	sdelay $0x3  }
0x194: {  	[tilespmem:v26+s13+$0x0] =	vst.idx.msk $0xffff, v25  }
0x195: {  	v26 =	vor.u32 s19, v18;
	v25 =	vld.idx.msk [tilespmem:v27+s16+$0x0], $0xffff  }
0x196: {  	v24 =	vor.u32 v7, v24;
	_ =	sdelay $0x3  }
0x197: {  	s20 =	simm.s32 $0x1;
	[tilespmem:v26+s13+$0x0] =	vst.idx.msk $0xffff, v25  }
0x198: {  	s21 =	simm.s32 $0x2;
	v25 =	vmov s20;
	v24 =	vld.idx.msk [tilespmem:v24+s16+$0x0], $0xffff  }
.LBB2_11:
0x199: {  	p2 =	sne.s32 s21, $0x3F;
	v25 =	vshll.u32 v25, $0x7;
	v26 =	vor.u32 s19, v19;
	s19 =	smov.u32 s20;
	s20 =	smov.u32 s21  }
0x19a: {  	v27 =	vor.u32 v0, v25;
	_ =	sdelay $0x3  }
0x19b: {  	[tilespmem:v26+s13+$0x0] =	vst.idx.msk $0xffff, v24  }
0x19c: {  	v24 =	vld.idx.msk [tilespmem:v27+s16+$0x0], $0xffff  }
0x19d: {  	v26 =	vor.u32 s19, v2  }
0x19e: {  	v27 =	vor.u32 v3, v25;
	_ =	sdelay $0x3  }
0x19f: {  	[tilespmem:v26+s13+$0x0] =	vst.idx.msk $0xffff, v24  }
0x1a0: {  	v24 =	vld.idx.msk [tilespmem:v27+s16+$0x0], $0xffff  }
0x1a1: {  	v26 =	vor.u32 s19, v17  }
0x1a2: {  	v27 =	vor.u32 v5, v25;
	_ =	sdelay $0x3  }
0x1a3: {  	[tilespmem:v26+s13+$0x0] =	vst.idx.msk $0xffff, v24  }
0x1a4: {  	v24 =	vld.idx.msk [tilespmem:v27+s16+$0x0], $0xffff  }
0x1a5: {  	v26 =	vor.u32 s19, v18  }
0x1a6: {  	v27 =	vor.u32 v7, v25  }
.Ltmp10:
0x1a7: {  	(pc) =	sbr.rel @p2 .LBB2_11-.Ltmp10, $3  }
0x1a8: {  	_ =	sdelay $0x1  }
0x1a9: {  	[tilespmem:v26+s13+$0x0] =	vst.idx.msk $0xffff, v24  }
0x1aa: {  	s21 =	sadd.s32 $0x1, s21;
	v25 =	vmov s20;
	v24 =	vld.idx.msk [tilespmem:v27+s16+$0x0], $0xffff  }
0x1ab: {  	v25 =	vshll.u32 v25, $0x7;
	v26 =	vor.u32 s19, v19  }
0x1ac: {  	v27 =	vor.u32 v0, v25;
	_ =	sdelay $0x3  }
0x1ad: {  	[tilespmem:v26+s13+$0x0] =	vst.idx.msk $0xffff, v24  }
0x1ae: {  	v58 =	vor.u32 s20, v2;
	v24 =	vld.idx.msk [tilespmem:v27+s16+$0x0], $0xffff  }
0x1af: {  	v59 =	vor.u32 v3, v25;
	_ =	sdelay $0x3  }
0x1b0: {  	[tilespmem:v58+s13+$0x0] =	vst.idx.msk $0xffff, v24  }
0x1b1: {  	v60 =	vor.u32 s20, v17;
	v24 =	vld.idx.msk [tilespmem:v59+s16+$0x0], $0xffff  }
0x1b2: {  	v61 =	vor.u32 v5, v25;
	_ =	sdelay $0x3  }
0x1b3: {  	[tilespmem:v60+s13+$0x0] =	vst.idx.msk $0xffff, v24  }
0x1b4: {  	v62 =	vor.u32 s20, v18;
	v24 =	vld.idx.msk [tilespmem:v61+s16+$0x0], $0xffff  }
0x1b5: {  	v25 =	vor.u32 v7, v25;
	_ =	sdelay $0x3  }
0x1b6: {  	[tilespmem:v62+s13+$0x0] =	vst.idx.msk $0xffff, v24  }
0x1b7: {  	v63 =	vor.u32 s20, v19;
	v24 =	vld.idx.msk [tilespmem:v25+s16+$0x0], $0xffff;
	_ =	sdelay $0x4  }
.Ltmp11:
0x1b8: {  	[tilespmem:v63+s13+$0x0] =	vst.idx.msk $0xffff, v24;
	(pc) =	sbr.rel .LBB2_13-.Ltmp11, $4  }
0x1b9: {  	[hbm4b:s8+s3] =	stream.linear.scatter [tilespmem:s13], [sflag:$0x5], $0x2000, $0x38;
	[tilespmem:$0xE000] =	vst v63  }
0x1ba: {  	_ =	swait.ge [sflag:s17], $0x2000  }
0x1bb: {  	[sflag:s17] =	ssyncset.done $0x0  }
0x1bc: {  	[sflag:s17] =	ssyncadd.s32 $0xFFFFE000  }
.LBB2_14:
0x1bd: {  	_ =	sfence.sel $0x180000  }
0x1be: {  	[bflag:$0x0] =	sbarrier.arrive $0xFFFF  }
0x1bf: {  	p0 =	sne.s32 s2, $0x0;
	_ =	strace $0x90000047  }
0x1c0: {  	s0 =	sadd.s32 @!p0 $0x100000, s0;
	[bflag:$0x2] =	sbarrier.arrive $0xFFFF  }
0x1c1: {  	[sflag:s0] =	ssyncadd.tile.s32 @!p0 $0x1;
	_ =	shalt  }
.Lfunc_end2:
_tile_overlayer_lowered:
.L_overlay_start_2:
0x1c2: {  	(tag) =	ssettag $0x2  }
0x1c3: {  	s0 =	rddreg [dreg:$0x0];
	s2 =	stileid.u32  }
0x1c4: {  	s1 =	rddreg [dreg:$0x1];
	p0 =	sne.s32 s2, $0x0  }
0x1c5: {  	s3 =	rddreg [dreg:$0x2];
	[bflag:$0x3] =	sbarrier.arrive $0xFFFF;
	s2 =	simm.s32 @!p0 $0x1C05  }
0x1c6: {  	[timem:s3], [sflag:s2] =	dma.local @!p0 [hbm:s0], s1  }
0x1c7: {  	s0 =	simm.s32 @!p0 $0x5  }
0x1c8: {  	_ =	swait.ge @!p0 [sflag:s0], s1  }
0x1c9: {  	s1 =	ssub.s32 @!p0 $0x0, s1;
	[sflag:s0] =	ssyncset.done @!p0 $0x0  }
0x1ca: {  	[sflag:s0] =	ssyncadd.s32 @!p0 s1  }
0x1cb: {  	[bflag:$0x3] =	sbarrier.arrive $0xFFFF  }
0x1cc: {  	_ =	shalt  }

// kernel: kernel.7.cloned.1.call-start
scs
__scs_entry_jumppad:
0x0: {  	(pc) =	sbr.rel $0x88, $3  }
0x1: {  	(tag) =	ssettag $0x0;
	lr =	simm.s32 $0x1  }
0x2: {  	[smem:$0x3F9F] =	sst lr;
	_ =	strace $0xD0000000  }
0x3: {  	_ = 	snop  }
0x4: {  	_ = 	snop  }
0x5: {  	_ = 	snop  }
0x6: {  	_ = 	snop  }
0x7: {  	_ = 	snop  }
__scs_overlays_trampoline_lowered:
0x8: {  	[smem:$0x3FAE] =	sst s0  }
0x9: {  	[smem:$0x3FAF] =	sst s1  }
0xa: {  	[smem:$0x3FB0] =	sst s2  }
0xb: {  	[smem:$0x3FB1] =	sst s3  }
0xc: {  	[smem:$0x3FB2] =	sst s4  }
0xd: {  	[smem:$0x3FB3] =	sst s5  }
0xe: {  	[smem:$0x3FB4] =	sst s6  }
0xf: {  	[smem:$0x3FB5] =	sst s7  }
0x10: {  	[smem:$0x3FB6] =	sst s8  }
0x11: {  	[smem:$0x3FB7] =	sst s9;
	s0 =	simm.s32 @!p0 $0x0  }
0x12: {  	s1 =	sld [smem:$0x3F9D];
	s0 =	simm.s32 @p0 $0x1  }
0x13: {  	[smem:$0x3FB8] =	sst s0;
	s0 =	simm.s32 @!p1 $0x0  }
0x14: {  	s2 =	sld [smem:$0x3F9C];
	s0 =	simm.s32 @p1 $0x1  }
0x15: {  	[smem:$0x3FB9] =	sst s0;
	s0 =	simm.s32 @!p2 $0x0  }
0x16: {  	s3 =	sld [smem:$0x3FDB];
	s0 =	simm.s32 @p2 $0x1  }
0x17: {  	s4 =	simm.s32 $0x1BF5;
	[smem:$0x3FBB] =	sst s0  }
0x18: {  	s0 =	sld [smem:$0x3F9E];
	_ =	swait.ge [sflag:s4], $0x0  }
0x19: {  	s7 =	sld [smem:$0x3F9F]  }
0x1a: {  	s8 =	sadd.s32 $0xFFFFE003, lr  }
0x1b: {  	s9 =	sadd.s32 $0xFFFFFEF7, lr;
	s5 =	simm.s32 $0xFFFFFFFF;
	p2 =	slt.u32 s8, $0xFFFFF086  }
0x1c: {  	p1 =	slt.u32 s9, $0xF7A;
	s5 =	simm.s32 @!p2 $0x0  }
0x1d: {  	s5 =	simm.s32 @p1 $0x1;
	p0 =	seq.s32 s7, s2  }
0x1e: {  	s7 =	smul.u32 @!p0 $0xF7A, s2;
	p2 =	seq.s32 @!p0 s5, $0x0  }
0x1f: {  	s9 =	smul.u32 $0xF7A, s1;
	s8 =	simm.s32 @!p0 $0x1BF5;
	p2 =	por !p2, p0  }
0x20: {  	[sflag:s8] =	ssyncset.s32 @!p0 $0xFFFFF086;
	s6 =	sadd.s32 @!p0 s3, s7;
	s7 =	simm.s32 @!p0 $0x108  }
0x21: {  	s3 =	sadd.s32 s3, s9;
	s6 =	sadd.s32 @!p0 $0x88, s6;
	s7 =	simm.s32 @p2 $0x1082  }
0x22: {  	[simem:s7], [sflag:s8] =	dma.local @!p0 [hbm:s6], $0xF7A  }
0x23: {  	s9 =	sor.u32 $0xD0000000, s2;
	s6 =	simm.s32 $0x108;
	_ =	swait.ge @!p0 [sflag:s8], $0x0  }
0x24: {  	s3 =	sadd.s32 $0x88, s3;
	s6 =	simm.s32 @!p1 $0x1082;
	[sflag:s4] =	ssyncset.s32 $0xFFFFF086  }
0x25: {  	[simem:s6], [sflag:s4] =	dma.local [hbm:s3], $0xF7A  }
0x26: {  	[smem:$0x3F9F] =	sst s1;
	(tag) =	ssettag s2;
	_ =	strace s9  }
0x27: {  	s1 =	sld [smem:$0x3FAF]  }
0x28: {  	s2 =	sld [smem:$0x3FB0]  }
0x29: {  	s4 =	sld [smem:$0x3FB2]  }
0x2a: {  	p0 =	seq.s32 s5, $0x0;
	s5 =	sld [smem:$0x3FB3]  }
0x2b: {  	s6 =	sld [smem:$0x3FB4]  }
0x2c: {  	s7 =	sld [smem:$0x3FB5]  }
0x2d: {  	s3 =	simm.s32 $0x108;
	s8 =	sld [smem:$0x3FB6]  }
0x2e: {  	s3 =	simm.s32 @!p0 $0x1082;
	s9 =	sld [smem:$0x3FB7]  }
0x2f: {  	lr =	sadd.s32 s0, s3;
	s0 =	sld [smem:$0x3FAE]  }
0x30: {  	s3 =	sld [smem:$0x3FB1]  }
0x31: {  	[smem:$0x3FBA] =	sst s10  }
0x32: {  	s10 =	sld [smem:$0x3FB8];
	_ =	sdelay $0x3  }
0x33: {  	p0 =	seq.s32 s10, $0x1;
	s10 =	sld [smem:$0x3FBA];
	_ =	sdelay $0x3  }
0x34: {  	[smem:$0x3FBA] =	sst s10  }
0x35: {  	s10 =	sld [smem:$0x3FB9];
	_ =	sdelay $0x3  }
0x36: {  	p1 =	seq.s32 s10, $0x1;
	s10 =	sld [smem:$0x3FBA];
	_ =	sdelay $0x3  }
0x37: {  	[smem:$0x3FBA] =	sst s10  }
0x38: {  	s10 =	sld [smem:$0x3FBB]  }
0x39: {  	_ = 	snop;
	(pc) =	sbr.ind lr, $3  }
0x3a: {  	_ = 	snop  }
0x3b: {  	_ = 	snop  }
0x3c: {  	p2 =	seq.s32 s10, $0x1;
	s10 =	sld [smem:$0x3FBA]  }
0x3d: {  	_ =	shalt  }
0x3e: {  	_ =	shalt  }
0x3f: {  	_ =	shalt  }
0x40: {  	_ =	shalt  }
0x41: {  	_ =	shalt  }
0x42: {  	_ =	shalt  }
0x43: {  	_ =	shalt  }
0x44: {  	_ =	shalt  }
0x45: {  	_ =	shalt  }
0x46: {  	_ =	shalt  }
0x47: {  	_ =	shalt  }
0x48: {  	_ =	shalt  }
0x49: {  	_ =	shalt  }
0x4a: {  	_ =	shalt  }
0x4b: {  	_ =	shalt  }
0x4c: {  	_ =	shalt  }
0x4d: {  	_ =	shalt  }
0x4e: {  	_ =	shalt  }
0x4f: {  	_ =	shalt  }
0x50: {  	_ =	shalt  }
0x51: {  	_ =	shalt  }
0x52: {  	_ =	shalt  }
0x53: {  	_ =	shalt  }
0x54: {  	_ =	shalt  }
0x55: {  	_ =	shalt  }
0x56: {  	_ =	shalt  }
0x57: {  	_ =	shalt  }
0x58: {  	_ =	shalt  }
0x59: {  	_ =	shalt  }
0x5a: {  	_ =	shalt  }
0x5b: {  	_ =	shalt  }
0x5c: {  	_ =	shalt  }
0x5d: {  	_ =	shalt  }
0x5e: {  	_ =	shalt  }
0x5f: {  	_ =	shalt  }
0x60: {  	_ =	shalt  }
0x61: {  	_ =	shalt  }
0x62: {  	_ =	shalt  }
0x63: {  	_ =	shalt  }
0x64: {  	_ =	shalt  }
0x65: {  	_ =	shalt  }
0x66: {  	_ =	shalt  }
0x67: {  	_ =	shalt  }
0x68: {  	_ =	shalt  }
0x69: {  	_ =	shalt  }
0x6a: {  	_ =	shalt  }
0x6b: {  	_ =	shalt  }
0x6c: {  	_ =	shalt  }
0x6d: {  	_ =	shalt  }
0x6e: {  	_ =	shalt  }
0x6f: {  	_ =	shalt  }
0x70: {  	_ =	shalt  }
0x71: {  	_ =	shalt  }
0x72: {  	_ =	shalt  }
0x73: {  	_ =	shalt  }
0x74: {  	_ =	shalt  }
0x75: {  	_ =	shalt  }
0x76: {  	_ =	shalt  }
0x77: {  	_ =	shalt  }
0x78: {  	_ =	shalt  }
0x79: {  	_ =	shalt  }
0x7a: {  	_ =	shalt  }
0x7b: {  	_ =	shalt  }
0x7c: {  	_ =	shalt  }
0x7d: {  	_ =	shalt  }
0x7e: {  	_ =	shalt  }
0x7f: {  	_ =	shalt  }
0x80: {  	_ =	shalt  }
0x81: {  	_ =	shalt  }
0x82: {  	_ =	shalt  }
0x83: {  	_ =	shalt  }
0x84: {  	_ =	shalt  }
0x85: {  	_ =	shalt  }
0x86: {  	_ =	shalt  }
0x87: {  	_ =	shalt  }
.Lfunc_end0:
.L_simem_size_0:
called_computation.2_lowered:
.L_overlay_start_0:
0x88: {  	s2 =	sld [smem:$0x3FD9]  }
0x89: {  	s3 =	sld [smem:$0x3FFE];
	_ =	sdelay $0x1  }
0x8a: {  	s1 =	srdreg.scid  }
0x8b: {  	s0 =	sand.u32 $0x1, s1  }
0x8c: {  	s17 =	sshll.u32 s0, $0xA;
	s2 =	sadd.s32 s3, s2  }
0x8d: {  	s2 =	sadd.s32 s2, s17  }
0x8e: {  	[smem:$0x3FC6] =	sst s2  }
0x8f: {  	_ = 	snop  }
0x90: {  	s2 =	sld [smem:$0x3FD0];
	(tm) =	ssettm $0x1  }
0x91: {  	s18 =	sld [smem:$0x3FFB];
	_ =	sdelay $0x3  }
0x92: {  	_ =	strace s18  }
0x93: {  	s3 =	sld [smem:$0x3FFC];
	_ =	sdelay $0x3  }
0x94: {  	_ =	strace s3  }
0x95: {  	s3 =	sld [smem:$0x3FFD];
	_ =	sdelay $0x3  }
0x96: {  	_ =	strace s3  }
0x97: {  	_ =	strace $0x8FFFFFFF  }
0x98: {  	s19 =	sld [smem:$0x3FDB];
	_ =	sdelay $0x1  }
0x99: {  	s4 =	simm.s32 $_scs_section_size  }
0x9a: {  	s5 =	simm.s32 $_size__tile_overlayer_lowered;
	s6 =	simm.s32 $_tile_overlayer_lowered  }
0x9b: {  	s22 =	simm.s32 $0x1BFF;
	s21 =	sshll.u32 s6, $0x1;
	s3 =	sadd.s32 s4, s19  }
0x9c: {  	s7 =	simm.s32 $0x0;
	s20 =	sshll.u32 s5, $0x1;
	s5 =	sadd.s32 s21, s3  }
0x9d: {  	[timem:s7], [sflag:s22] =	dma.local [hbm:s5], s20  }
0x9e: {  	_ =	swait.ge [sflag:s22], s20  }
0x9f: {  	s4 =	ssub.s32 $0x0, s20;
	[sflag:s22] =	ssyncset.done $0x0  }
0xa0: {  	[sflag:s22] =	ssyncadd.s32 s4;
	_ =	sdelay $0x1  }
0xa1: {  	s23 =	simm.s32 $0x1B8B  }
0xa2: {  	_ =	swait.ge [sflag:s23], $0x1  }
0xa3: {  	[sflag:s23] =	ssyncset.done $0x0  }
0xa4: {  	s25 =	simm.s32 $0x1B8E;
	s24 =	sld [smem:$0x3FFE];
	[sflag:s23] =	ssyncadd.s32 $0xFFFFFFFF  }
0xa5: {  	s26 =	simm.s32 $execute0_lowered;
	[smem:$0x3FD2] =	sst s25  }
0xa6: {  	s5 =	sshll.u32 s26, $0x1;
	_ =	strace $0x80000049;
	[dreg:$0x1] =	wrdreg $0xFFFFFFFF  }
0xa7: {  	s28 =	simm.s32 $_size_execute0_lowered;
	s3 =	sadd.s32 s3, s5;
	[dreg:$0x0] =	wrdreg $0x0  }
0xa8: {  	s5 =	sshll.u32 s28, $0x1;
	[dreg:$0x2] =	wrdreg s3  }
0xa9: {  	[dreg:$0x3] =	wrdreg s5  }
0xaa: {  	[dreg:$0x4] =	wrdreg $0xC0  }
0xab: {  	_ =	task [dreg:s7], $0x5FFFF  }
0xac: {  	[dreg:$0x1] =	wrdreg $0xFFFFFFFF  }
0xad: {  	[dreg:$0x0] =	wrdreg $0x60  }
0xae: {  	[dreg:$0x2] =	wrdreg s2  }
0xaf: {  	[dreg:$0x3] =	wrdreg s24  }
0xb0: {  	[dreg:$0x4] =	wrdreg $0x9  }
0xb1: {  	_ =	task.clear_ibuf [dreg:s7], $0x5FFFF;
	_ =	strace $0x90000049  }
0xb2: {  	s29 =	simm.s32 $0x9;
	_ =	strace $0x8000004B  }
0xb3: {  	_ =	swait.ge [sflag:s29], $0x1  }
0xb4: {  	[sflag:s29] =	ssyncadd.s32 $0xFFFFFFFF  }
0xb5: {  	_ =	strace $0x9000004B  }
0xb6: {  	_ =	sfence  }
0xb7: {  	s30 =	sld [smem:$0x0];
	_ =	sdelay $0x2  }
0xb8: {  	s31 =	sshll.u32 s1, $0xD;
	s1 =	sshrl.u32 s1, $0x2  }
0xb9: {  	s3 =	sand.u32 $0x4000, s31;
	s1 =	sadd.s32 s1, s30  }
0xba: {  	s0 =	sor.u32 s3, s0;
	s1 =	sshll.u32 s1, $0x11  }
0xbb: {  	s0 =	sor.u32 s1, s0  }
0xbc: {  	s0 =	sadd.s32 $0x8F2B, s0  }
0xbd: {  	[sflag:s0] =	ssyncadd.remote.s32 $0x1  }
0xbe: {  	_ =	sfence.sel $0xFFFF  }
0xbf: {  	[dreg:$0x0] =	wrdreg $0xFFFFFFFF;
	(pc) =	sbr.abs _section_cstart, $3  }
0xc0: {  	[dreg:$0x1] =	wrdreg $0xFFFFFFFF  }
0xc1: {  	_ =	task.clear_ibuf [dreg:s7], $0x2FFFF;
	_ =	strace $0x9FFFFFFF  }
0xc2: {  	(tm) =	ssettm $0x7FFFFFFF  }
0xc3: {  	_ =	shalt  }
tec
execute0_lowered:
.L_overlay_start_1:
0x0: {  	(tag) =	ssettag $0x1  }
0x1: {  	s4 =	rddreg [dreg:$0x0]  }
0x2: {  	s5 =	rddreg [dreg:$0x1];
	s3 =	srdreg.scid  }
0x3: {  	s1 =	stileid.u32;
	s2 =	simm.s32 $0x0;
	s13 =	simm.s32 $0x6400  }
0x4: {  	s14 =	simm.s32 $0xC800;
	s15 =	simm.s32 $0x190;
	s16 =	simm.s32 $0x12C00  }
0x5: {  	s17 =	simm.s32 $0x258;
	s18 =	simm.s32 $0x19000;
	s19 =	simm.s32 $0x1  }
0x6: {  	s20 =	simm.s32 $0x2;
	s21 =	simm.s32 $0x3;
	s22 =	simm.s32 $0x4  }
0x7: {  	s23 =	simm.s32 $0x5;
	s24 =	simm.s32 $0x6;
	s25 =	simm.s32 $0x7  }
0x8: {  	s26 =	simm.s32 $0x8;
	s28 =	simm.s32 $0x0;
	s8 =	sand.u32 $0x1, s3  }
0x9: {  	s29 =	sshll.u32 s1, $0x1;
	[smem:$0x7FF] =	sst s2;
	s31 =	smul.u32 $0xC8000, s1  }
0xa: {  	s3 =	sadd.s32 $0xE00, s5;
	s6 =	sor.u32 s8, s29;
	s12 =	smul.u32 $0x64000, s8  }
0xb: {  	s11 =	sadd.s32 $0xF43200, s5;
	s7 =	ssub.s32 $0x2, s8;
	s9 =	smul.u32 $0x6400, s6  }
0xc: {  	_ =	strace $0x8000004A;
	s10 =	sshrl.u32 s7, $0x1;
	s6 =	smul.u32 $0x64000, s6  }
0xd: {  	s7 =	ssub.s32 s7, s10;
	s10 =	sadd.s32 s31, s11;
	s30 =	sshrl.u32 s9, $0x3  }
0xe: {  	s5 =	sadd.s32 s11, s6;
	s6 =	smax.u32 s7, $0x1;
	s10 =	sadd.s32 s12, s10  }
0xf: {  	s11 =	simm.s32 $0x9;
	s12 =	simm.s32 $0xC8;
	s4 =	sadd.s32 s4, s30  }
0x10: {  	s7 =	sadd.s32 $0xC80, s5;
	s8 =	sadd.s32 $0x1900, s5;
	s9 =	sadd.s32 $0x2580, s5  }
.LBB2_1:
0x11: {  	[tilespmem:s2], [sflag:$0x9] =	stream.linear.gather [hbm4b:s4+s2], $0x6400, $0x38;
	[tilespmem:$0x1F400] =	vst v63  }
0x12: {  	_ =	swait.ge [sflag:s11], $0x6400  }
0x13: {  	[sflag:s11] =	ssyncset.done $0x0  }
0x14: {  	[sflag:s11] =	ssyncadd.s32 $0xFFFF9C00  }
0x15: {  	[tilespmem:s13], [sflag:$0x1] =	stream.indirect.gather [hbm4b:s3+s12], $0x80, s2, s12, $0xb8;
	[tilespmem:$0x1F400] =	vst v63  }
0x16: {  	_ = 	snop  }
0x17: {  	[tilespmem:s14], [sflag:$0x2] =	stream.indirect.gather [hbm4b:s3+s12], $0x80, s12, s12, $0xb8;
	[tilespmem:$0x1F400] =	vst v63  }
0x18: {  	_ = 	snop  }
0x19: {  	[tilespmem:s16], [sflag:$0x3] =	stream.indirect.gather [hbm4b:s3+s12], $0x80, s15, s12, $0xb8;
	[tilespmem:$0x1F400] =	vst v63  }
0x1a: {  	_ = 	snop  }
0x1b: {  	[tilespmem:s18], [sflag:$0x4] =	stream.indirect.gather [hbm4b:s3+s12], $0x80, s17, s12, $0xb8;
	[tilespmem:$0x1F400] =	vst v63  }
0x1c: {  	_ =	swait.ge [sflag:s19], $0x6400  }
0x1d: {  	[sflag:s19] =	ssyncset.done $0x0  }
0x1e: {  	[sflag:s19] =	ssyncadd.s32 $0xFFFF9C00  }
0x1f: {  	[hbm4b:s5+s2] =	stream.linear.scatter [tilespmem:s13], [sflag:$0x5], $0x6400, $0x38;
	[tilespmem:$0x1F400] =	vst v63  }
0x20: {  	_ =	swait.ge [sflag:s20], $0x6400  }
0x21: {  	[sflag:s20] =	ssyncset.done $0x0  }
0x22: {  	[sflag:s20] =	ssyncadd.s32 $0xFFFF9C00  }
0x23: {  	[hbm4b:s7+s2] =	stream.linear.scatter [tilespmem:s14], [sflag:$0x6], $0x6400, $0x38;
	[tilespmem:$0x1F400] =	vst v63  }
0x24: {  	_ =	swait.ge [sflag:s21], $0x6400  }
0x25: {  	[sflag:s21] =	ssyncset.done $0x0  }
0x26: {  	[sflag:s21] =	ssyncadd.s32 $0xFFFF9C00  }
0x27: {  	[hbm4b:s8+s2] =	stream.linear.scatter [tilespmem:s16], [sflag:$0x7], $0x6400, $0x38;
	[tilespmem:$0x1F400] =	vst v63  }
0x28: {  	_ =	swait.ge [sflag:s22], $0x6400  }
0x29: {  	[sflag:s22] =	ssyncset.done $0x0  }
0x2a: {  	[sflag:s22] =	ssyncadd.s32 $0xFFFF9C00  }
0x2b: {  	[hbm4b:s9+s2] =	stream.linear.scatter [tilespmem:s18], [sflag:$0x8], $0x6400, $0x38;
	[tilespmem:$0x1F400] =	vst v63  }
0x2c: {  	_ =	swait.ge [sflag:s23], $0x6400  }
0x2d: {  	[sflag:s23] =	ssyncset.done $0x0  }
0x2e: {  	s29 =	simm.s32 $0x320;
	[sflag:s23] =	ssyncadd.s32 $0xFFFF9C00  }
0x2f: {  	[tilespmem:s13], [sflag:$0x1] =	stream.indirect.gather [hbm4b:s3+s12], $0x80, s29, s12, $0xb8;
	[tilespmem:$0x1F400] =	vst v63  }
0x30: {  	_ =	swait.ge [sflag:s24], $0x6400  }
0x31: {  	[sflag:s24] =	ssyncset.done $0x0  }
0x32: {  	s29 =	simm.s32 $0x3E8;
	[sflag:s24] =	ssyncadd.s32 $0xFFFF9C00  }
0x33: {  	[tilespmem:s14], [sflag:$0x2] =	stream.indirect.gather [hbm4b:s3+s12], $0x80, s29, s12, $0xb8;
	[tilespmem:$0x1F400] =	vst v63  }
0x34: {  	_ =	swait.ge [sflag:s25], $0x6400  }
0x35: {  	[sflag:s25] =	ssyncset.done $0x0  }
0x36: {  	s29 =	simm.s32 $0x4B0;
	[sflag:s25] =	ssyncadd.s32 $0xFFFF9C00  }
0x37: {  	[tilespmem:s16], [sflag:$0x3] =	stream.indirect.gather [hbm4b:s3+s12], $0x80, s29, s12, $0xb8;
	[tilespmem:$0x1F400] =	vst v63  }
0x38: {  	_ =	swait.ge [sflag:s26], $0x6400  }
0x39: {  	[sflag:s26] =	ssyncset.done $0x0  }
0x3a: {  	s29 =	simm.s32 $0x578;
	[sflag:s26] =	ssyncadd.s32 $0xFFFF9C00  }
0x3b: {  	[tilespmem:s18], [sflag:$0x4] =	stream.indirect.gather [hbm4b:s3+s12], $0x80, s29, s12, $0xb8;
	[tilespmem:$0x1F400] =	vst v63  }
0x3c: {  	_ =	swait.ge [sflag:s19], $0x6400  }
0x3d: {  	s30 =	sadd.s32 $0x0, s10;
	[sflag:s19] =	ssyncset.done $0x0  }
0x3e: {  	s29 =	sadd.s32 $0x3200, s30;
	[sflag:s19] =	ssyncadd.s32 $0xFFFF9C00  }
0x3f: {  	[hbm4b:s29+s2] =	stream.linear.scatter [tilespmem:s13], [sflag:$0x5], $0x6400, $0x38;
	[tilespmem:$0x1F400] =	vst v63  }
0x40: {  	_ =	swait.ge [sflag:s20], $0x6400  }
0x41: {  	[sflag:s20] =	ssyncset.done $0x0  }
0x42: {  	s29 =	sadd.s32 $0x3E80, s30;
	[sflag:s20] =	ssyncadd.s32 $0xFFFF9C00  }
0x43: {  	[hbm4b:s29+s2] =	stream.linear.scatter [tilespmem:s14], [sflag:$0x6], $0x6400, $0x38;
	[tilespmem:$0x1F400] =	vst v63  }
0x44: {  	_ =	swait.ge [sflag:s21], $0x6400  }
0x45: {  	[sflag:s21] =	ssyncset.done $0x0  }
0x46: {  	s29 =	sadd.s32 $0x4B00, s30;
	[sflag:s21] =	ssyncadd.s32 $0xFFFF9C00  }
0x47: {  	[hbm4b:s29+s2] =	stream.linear.scatter [tilespmem:s16], [sflag:$0x7], $0x6400, $0x38;
	[tilespmem:$0x1F400] =	vst v63  }
0x48: {  	_ =	swait.ge [sflag:s22], $0x6400  }
0x49: {  	s31 =	sadd.s32 $0x5780, s30;
	[sflag:s22] =	ssyncset.done $0x0  }
0x4a: {  	s30 =	simm.s32 $0x898;
	s29 =	simm.s32 $0x3200;
	[sflag:s22] =	ssyncadd.s32 $0xFFFF9C00  }
.LBB2_2:
0x4b: {  	[hbm4b:s31+s2] =	stream.linear.scatter [tilespmem:s18], [sflag:$0x8], $0x6400, $0x38;
	[tilespmem:$0x1F400] =	vst v63  }
0x4c: {  	s31 =	smov.u32 s29  }
0x4d: {  	p0 =	sne.s32 s29, $0x5DC00;
	s29 =	sadd.s32 $0x3200, s29;
	_ =	swait.ge [sflag:s23], $0x6400  }
0x4e: {  	[sflag:s23] =	ssyncset.done $0x0  }
0x4f: {  	s0 =	sadd.s32 $0xFFFFFDA8, s30;
	[sflag:s23] =	ssyncadd.s32 $0xFFFF9C00  }
0x50: {  	[tilespmem:s13], [sflag:$0x1] =	stream.indirect.gather [hbm4b:s3+s12], $0x80, s0, s12, $0xb8;
	[tilespmem:$0x1F400] =	vst v63  }
0x51: {  	_ =	swait.ge [sflag:s24], $0x6400  }
0x52: {  	[sflag:s24] =	ssyncset.done $0x0  }
0x53: {  	s0 =	sadd.s32 $0xFFFFFE70, s30;
	[sflag:s24] =	ssyncadd.s32 $0xFFFF9C00  }
0x54: {  	[tilespmem:s14], [sflag:$0x2] =	stream.indirect.gather [hbm4b:s3+s12], $0x80, s0, s12, $0xb8;
	[tilespmem:$0x1F400] =	vst v63  }
0x55: {  	_ =	swait.ge [sflag:s25], $0x6400  }
0x56: {  	[sflag:s25] =	ssyncset.done $0x0  }
0x57: {  	s0 =	sadd.s32 $0xFFFFFF38, s30;
	[sflag:s25] =	ssyncadd.s32 $0xFFFF9C00  }
0x58: {  	[tilespmem:s16], [sflag:$0x3] =	stream.indirect.gather [hbm4b:s3+s12], $0x80, s0, s12, $0xb8;
	[tilespmem:$0x1F400] =	vst v63  }
0x59: {  	_ =	swait.ge [sflag:s26], $0x6400  }
0x5a: {  	[sflag:s26] =	ssyncset.done $0x0  }
0x5b: {  	[sflag:s26] =	ssyncadd.s32 $0xFFFF9C00  }
0x5c: {  	[tilespmem:s18], [sflag:$0x4] =	stream.indirect.gather [hbm4b:s3+s12], $0x80, s30, s12, $0xb8;
	[tilespmem:$0x1F400] =	vst v63  }
0x5d: {  	_ =	swait.ge [sflag:s19], $0x6400  }
0x5e: {  	s0 =	sadd.s32 s31, s10;
	[sflag:s19] =	ssyncset.done $0x0  }
0x5f: {  	s31 =	sadd.s32 $0x3200, s0;
	[sflag:s19] =	ssyncadd.s32 $0xFFFF9C00  }
0x60: {  	[hbm4b:s31+s2] =	stream.linear.scatter [tilespmem:s13], [sflag:$0x5], $0x6400, $0x38;
	[tilespmem:$0x1F400] =	vst v63  }
0x61: {  	_ =	swait.ge [sflag:s20], $0x6400  }
0x62: {  	[sflag:s20] =	ssyncset.done $0x0  }
0x63: {  	s31 =	sadd.s32 $0x3E80, s0;
	[sflag:s20] =	ssyncadd.s32 $0xFFFF9C00  }
0x64: {  	[hbm4b:s31+s2] =	stream.linear.scatter [tilespmem:s14], [sflag:$0x6], $0x6400, $0x38;
	[tilespmem:$0x1F400] =	vst v63  }
0x65: {  	_ =	swait.ge [sflag:s21], $0x6400  }
0x66: {  	[sflag:s21] =	ssyncset.done $0x0  }
.Ltmp0:
0x67: {  	s31 =	sadd.s32 $0x4B00, s0;
	[sflag:s21] =	ssyncadd.s32 $0xFFFF9C00;
	(pc) =	sbr.rel @p0 .LBB2_2-.Ltmp0, $4  }
0x68: {  	[hbm4b:s31+s2] =	stream.linear.scatter [tilespmem:s16], [sflag:$0x7], $0x6400, $0x38;
	[tilespmem:$0x1F400] =	vst v63  }
0x69: {  	_ =	swait.ge [sflag:s22], $0x6400  }
0x6a: {  	[sflag:s22] =	ssyncset.done $0x0  }
0x6b: {  	s30 =	sadd.s32 $0x320, s30;
	s31 =	sadd.s32 $0x5780, s0;
	[sflag:s22] =	ssyncadd.s32 $0xFFFF9C00  }
0x6c: {  	[hbm4b:s31+s2] =	stream.linear.scatter [tilespmem:s18], [sflag:$0x8], $0x6400, $0x38;
	[tilespmem:$0x1F400] =	vst v63  }
0x6d: {  	_ =	swait.ge [sflag:s23], $0x6400  }
0x6e: {  	[sflag:s23] =	ssyncset.done $0x0  }
0x6f: {  	[sflag:s23] =	ssyncadd.s32 $0xFFFF9C00  }
0x70: {  	_ =	swait.ge [sflag:s24], $0x6400  }
0x71: {  	[sflag:s24] =	ssyncset.done $0x0  }
0x72: {  	s28 =	sadd.s32 $0x1, s28;
	[sflag:s24] =	ssyncadd.s32 $0xFFFF9C00  }
0x73: {  	p0 =	sne.s32 s28, s6;
	_ =	swait.ge [sflag:s25], $0x6400  }
.Ltmp1:
0x74: {  	[sflag:s25] =	ssyncset.done $0x0;
	(pc) =	sbr.rel @p0 .LBB2_1-.Ltmp1, $4  }
0x75: {  	[sflag:s25] =	ssyncadd.s32 $0xFFFF9C00  }
0x76: {  	_ =	swait.ge [sflag:s26], $0x6400  }
0x77: {  	[sflag:s26] =	ssyncset.done $0x0  }
0x78: {  	[sflag:s26] =	ssyncadd.s32 $0xFFFF9C00  }
0x79: {  	_ =	sfence.sel $0x180000  }
0x7a: {  	[bflag:$0x0] =	sbarrier.arrive $0xFFFF  }
0x7b: {  	_ =	strace $0x9000004A  }
0x7c: {  	[bflag:$0x2] =	sbarrier.arrive $0xFFFF  }
0x7d: {  	p0 =	sne.s32 s1, $0x0;
	s0 =	rddreg [dreg:$0x2]  }
0x7e: {  	s0 =	sadd.s32 @!p0 $0x100000, s0  }
0x7f: {  	[sflag:s0] =	ssyncadd.tile.s32 @!p0 $0x1;
	_ =	shalt  }
.Lfunc_end2:
_tile_overlayer_lowered:
.L_overlay_start_2:
0x80: {  	(tag) =	ssettag $0x2  }
0x81: {  	s0 =	rddreg [dreg:$0x0];
	s2 =	stileid.u32  }
0x82: {  	s1 =	rddreg [dreg:$0x1];
	p0 =	sne.s32 s2, $0x0  }
0x83: {  	s3 =	rddreg [dreg:$0x2];
	[bflag:$0x3] =	sbarrier.arrive $0xFFFF;
	s2 =	simm.s32 @!p0 $0x1C09  }
0x84: {  	[timem:s3], [sflag:s2] =	dma.local @!p0 [hbm:s0], s1  }
0x85: {  	s0 =	simm.s32 @!p0 $0x9  }
0x86: {  	_ =	swait.ge @!p0 [sflag:s0], s1  }
0x87: {  	s1 =	ssub.s32 @!p0 $0x0, s1;
	[sflag:s0] =	ssyncset.done @!p0 $0x0  }
0x88: {  	[sflag:s0] =	ssyncadd.s32 @!p0 s1  }
0x89: {  	[bflag:$0x3] =	sbarrier.arrive $0xFFFF  }
0x8a: {  	_ =	shalt  }

// kernel: sparse-core-data-format-call.cloned.1.call-start
scs
called_computation_lowered:
.L_overlay_start_0:
0x0: {  	s2 =	sld [smem:$0x3FD9]  }
0x1: {  	s3 =	sld [smem:$0x3FFE];
	_ =	sdelay $0x1  }
0x2: {  	s1 =	srdreg.scid  }
0x3: {  	s0 =	sand.u32 $0x1, s1  }
0x4: {  	s18 =	sshll.u32 s0, $0xA;
	s2 =	sadd.s32 s3, s2  }
0x5: {  	s2 =	sadd.s32 s2, s18  }
0x6: {  	[smem:$0x3FC6] =	sst s2  }
0x7: {  	_ = 	snop  }
0x8: {  	s2 =	sld [smem:$0x3FD0];
	(tm) =	ssettm $0x1  }
0x9: {  	s19 =	sld [smem:$0x3FFB];
	_ =	sdelay $0x3  }
0xa: {  	_ =	strace s19  }
0xb: {  	s3 =	sld [smem:$0x3FFC];
	_ =	sdelay $0x3  }
0xc: {  	_ =	strace s3  }
0xd: {  	s3 =	sld [smem:$0x3FFD];
	_ =	sdelay $0x3  }
0xe: {  	_ =	strace s3  }
0xf: {  	_ =	strace $0x8FFFFFFF  }
0x10: {  	s20 =	sld [smem:$0x3FDB];
	_ =	sdelay $0x1  }
0x11: {  	s4 =	simm.s32 $_scs_section_size  }
0x12: {  	s5 =	simm.s32 $_size__tile_overlayer_lowered;
	s6 =	simm.s32 $_tile_overlayer_lowered  }
0x13: {  	s23 =	simm.s32 $0x1BFF;
	s22 =	sshll.u32 s6, $0x1;
	s3 =	sadd.s32 s4, s20  }
0x14: {  	s7 =	simm.s32 $0x0;
	s21 =	sshll.u32 s5, $0x1;
	s5 =	sadd.s32 s22, s3  }
0x15: {  	[timem:s7], [sflag:s23] =	dma.local [hbm:s5], s21  }
0x16: {  	_ =	swait.ge [sflag:s23], s21  }
0x17: {  	s4 =	ssub.s32 $0x0, s21;
	[sflag:s23] =	ssyncset.done $0x0  }
0x18: {  	[sflag:s23] =	ssyncadd.s32 s4;
	_ =	sdelay $0x1  }
0x19: {  	s24 =	simm.s32 $0x1B8B  }
0x1a: {  	_ =	swait.ge [sflag:s24], $0x1  }
0x1b: {  	[sflag:s24] =	ssyncset.done $0x0  }
0x1c: {  	s26 =	simm.s32 $0x1B8E;
	s25 =	sld [smem:$0x3FFE];
	[sflag:s24] =	ssyncadd.s32 $0xFFFFFFFF  }
0x1d: {  	s27 =	simm.s32 $execute0_lowered;
	[smem:$0x3FD2] =	sst s26  }
0x1e: {  	s5 =	sshll.u32 s27, $0x1;
	_ =	strace $0x8000004C;
	[dreg:$0x1] =	wrdreg $0xFFFFFFFF  }
0x1f: {  	s28 =	simm.s32 $_size_execute0_lowered;
	s3 =	sadd.s32 s3, s5;
	[dreg:$0x0] =	wrdreg $0x0  }
0x20: {  	s5 =	sshll.u32 s28, $0x1;
	[dreg:$0x2] =	wrdreg s3  }
0x21: {  	[dreg:$0x3] =	wrdreg s5  }
0x22: {  	[dreg:$0x4] =	wrdreg $0xC0  }
0x23: {  	_ =	task [dreg:s7], $0x5FFFF  }
0x24: {  	[dreg:$0x1] =	wrdreg $0xFFFFFFFF  }
0x25: {  	[dreg:$0x0] =	wrdreg $0x60  }
0x26: {  	[dreg:$0x2] =	wrdreg s25  }
0x27: {  	[dreg:$0x3] =	wrdreg s2  }
0x28: {  	[dreg:$0x4] =	wrdreg $0x9  }
0x29: {  	_ =	task.clear_ibuf [dreg:s7], $0x5FFFF;
	_ =	strace $0x9000004C  }
0x2a: {  	s29 =	simm.s32 $0x9;
	_ =	strace $0x8000004E  }
0x2b: {  	_ =	swait.ge [sflag:s29], $0x1  }
0x2c: {  	[sflag:s29] =	ssyncadd.s32 $0xFFFFFFFF  }
0x2d: {  	_ =	strace $0x9000004E  }
0x2e: {  	_ =	sfence  }
0x2f: {  	s30 =	sld [smem:$0x0];
	_ =	sdelay $0x2  }
0x30: {  	s31 =	sshll.u32 s1, $0xD;
	s1 =	sshrl.u32 s1, $0x2  }
0x31: {  	s3 =	sand.u32 $0x4000, s31;
	s1 =	sadd.s32 s1, s30  }
0x32: {  	s0 =	sor.u32 s3, s0;
	s1 =	sshll.u32 s1, $0x11  }
0x33: {  	s0 =	sor.u32 s1, s0  }
0x34: {  	s0 =	sadd.s32 $0x8F2B, s0  }
0x35: {  	[sflag:s0] =	ssyncadd.remote.s32 $0x1  }
0x36: {  	_ =	sfence.sel $0xFFFF  }
0x37: {  	[dreg:$0x0] =	wrdreg $0xFFFFFFFF;
	(pc) =	sbr.abs _section_cstart, $3  }
0x38: {  	[dreg:$0x1] =	wrdreg $0xFFFFFFFF  }
0x39: {  	_ =	task.clear_ibuf [dreg:s7], $0x2FFFF;
	_ =	strace $0x9FFFFFFF  }
0x3a: {  	(tm) =	ssettm $0x7FFFFFFF  }
0x3b: {  	_ =	shalt  }
tec
execute0_lowered:
.L_overlay_start_1:
0x0: {  	(tag) =	ssettag $0x1  }
0x1: {  	s0 =	srdreg.scid  }
0x2: {  	s1 =	sshll.u32 s0, $0x4  }
0x3: {  	s0 =	stileid.u32;
	s1 =	sand.u32 $0x10, s1  }
0x4: {  	s1 =	sor.u32 s0, s1  }
0x5: {  	s6 =	rddreg [dreg:$0x0];
	s4 =	simm.s32 $0x1;
	s2 =	sshll.u32 s1, $0x7  }
0x6: {  	s7 =	simm.s32 $0x2;
	s12 =	simm.s32 $0x0;
	s1 =	ssub.s32 $0x1000, s2  }
0x7: {  	s8 =	simm.s32 $0x8000;
	s13 =	simm.s32 $0x0;
	s3 =	sand.u32 $0xF80, s1  }
0x8: {  	s9 =	simm.s32 $0x0;
	s5 =	sshrl.u32 s1, $0xC;
	p0 =	sne.s32 s3, $0x0  }
.Ltmp0:
0x9: {  	s1 =	rddreg [dreg:$0x2];
	s4 =	simm.s32 @!p0 $0x0;
	(pc) =	sbr.rel .LBB1_1-.Ltmp0, $4  }
0xa: {  	s11 =	simm.s32 $0x0;
	s3 =	rddreg [dreg:$0x1];
	s5 =	sadd.s32 s4, s5  }
0xb: {  	_ =	strace $0x8000004D;
	s4 =	simm.s32 $0x1;
	s5 =	smul.u32 $0xC8, s5  }
0xc: {  	s6 =	sadd.s32 $0xF43200, s6;
	s10 =	smov.u32 s2;
	[sflag:s4] =	ssyncpa.u1 $0x0  }
0xd: {  	p0 =	por $0x0, $0x0;
	[sflag:s7] =	ssyncpa.u1 $0x0;
	s7 =	sor.u32 $0x1, s5  }
.LBB1_4:
0xe: {  	s16 =	sshll.u32 s13, $0x3;
	s17 =	sand.u32 $0x78, s13  }
0xf: {  	s30 =	sand.u32 $0x7E00, s13;
	s12 =	sshll.u32 s12, $0xF;
	s16 =	sand.u32 $0xC00, s16  }
0x10: {  	[tilespmem:s15+$0x810 ss:$0x81] =	vst.msk $0xffff, v2;
	s31 =	sand.u32 $0x7, s13;
	s16 =	sor.u32 s17, s16;
	s17 =	sadd.s32 s3, s30  }
0x11: {  	[tilespmem:s15+$0x1020 ss:$0x81] =	vst.msk $0xffff, v0;
	s13 =	sshll.u32 s31, $0x12;
	s12 =	sadd.s32 s12, s17;
	s16 =	sshrl.u32 s16, $0x3  }
0x12: {  	[tilespmem:s15+$0x0 ss:$0x81] =	vst.msk $0xffff, v1;
	s13 =	sor.u32 $0x400, s13;
	s12 =	sadd.s32 s16, s12  }
0x13: {  	[hbm4b:s12+s13] =	stream.strided.scatter [tilespmem:s14], [sflag:$0x2], $0x2000, s8, s13, $0x20;
	[tilespmem:$0x8080] =	vst v63  }
.LBB1_5:
0x14: {  	s14 =	sadd.s32 $0x1, s9  }
0x15: {  	s12 =	sadd.s32 $0x1000, s10;
	s16 =	smov.u32 s10;
	p2 =	sgt.s32 s14, $0xC7  }
0x16: {  	s16 =	smov.u32 @p2 s12  }
0x17: {  	s14 =	simm.s32 @p2 $0x0;
	p2 =	sgt.s32 s16, $0xFFF  }
0x18: {  	s16 =	smov.u32 @p2 s2;
	p2 =	sne.s32 s11, s7  }
.Ltmp1:
0x19: {  	p1 =	slt.u32 s11, $0x2;
	(pc) =	sbr.rel @!p2 .LBB1_6-.Ltmp1, $4  }
0x1a: {  	s15 =	simm.s32 @!p1 $0x2  }
0x1b: {  	s13 =	smov.u32 s10;
	p0 =	por !p0, !p0;
	_ =	swait.ge @!p1 [sflag:s15], $0x2000  }
0x1c: {  	s12 =	smov.u32 s9;
	[sflag:s15] =	ssyncset.done @!p1 $0x0;
	s9 =	smov.u32 s14  }
0x1d: {  	s11 =	sadd.s32 $0x1, s11;
	[sflag:s15] =	ssyncadd.s32 @!p1 $0xFFFFE000;
	s10 =	smov.u32 s16  }
.LBB1_1:
0x1e: {  	p1 =	sge.u32 s11, s5  }
0x1f: {  	s14 =	sand.u32 @!p1 $0x1FFFFFF, s9  }
0x20: {  	s15 =	smulhi.u32 @!p1 $0x147AE15, s14;
	_ =	sdelay $0x1  }
0x21: {  	s15 =	smul.u32 @!p1 $0xC8, s15  }
0x22: {  	s16 =	sxor.u32 @!p1 $0xFFFFFFFF, s11;
	s17 =	smul.u32 @!p1 $0xC80, s10  }
0x23: {  	s31 =	sadd.s32 $0xFFFFFFFF, s11;
	s16 =	sshll.u32 @!p1 s16, $0xD;
	s14 =	ssub.s32 @!p1 s14, s15  }
0x24: {  	s15 =	sand.u32 @!p1 $0x2000, s16;
	s16 =	sadd.s32 @!p1 s6, s17;
	s14 =	sshll.u32 @!p1 s14, $0x4  }
0x25: {  	s17 =	simm.s32 @!p1 $0x6400;
	s14 =	sadd.s32 @!p1 s14, s16;
	s16 =	simm.s32 @!p1 $0x40  }
0x26: {  	[tilespmem:s15], [sflag:$0x1] =	stream.strided.gather @!p1 [hbm4b:s14+s16], $0x2000, s17, s16, $0x38;
	[tilespmem:$0x8080] =	vst v63  }
0x27: {  	p1 =	sge.u32 s31, s5  }
.Ltmp2:
0x28: {  	_ = 	snop;
	(pc) =	sbr.rel @p1 .LBB1_5-.Ltmp2, $1  }
0x29: {  	_ =	sdelay $0x3  }
0x2a: {  	s14 =	simm.s32 $0x1  }
0x2b: {  	_ =	swait.ge [sflag:s4], $0x2000;
	s14 =	simm.s32 @!p0 $0x0  }
0x2c: {  	[sflag:s4] =	ssyncset.done $0x0;
	s15 =	sshll.u32 s14, $0xD  }
0x2d: {  	[sflag:s4] =	ssyncadd.s32 $0xFFFFE000;
	s18 =	sor.u32 $0x20, s15  }
0x2e: {  	s14 =	smul.u32 $0x8100, s14;
	v3 =	vld [tilespmem:s18+$0x10]  }
0x2f: {  	s30 =	sand.u32 $0x1, s11;
	v2 =	vld [tilespmem:s18+$0xFFFFFFF0]  }
0x30: {  	s15 =	smul.u32 $0x8100, s30;
	s14 =	sshrl.u32 s14, $0x2;
	v0 =	vld [tilespmem:s18+$0x0]  }
0x31: {  	v1 =	vld [tilespmem:s18+$0xFFFFFFE0];
	s16 =	sor.u32 $0x4000, s14  }
0x32: {  	s31 =	sshrl.u32 s15, $0x2;
	s15 =	sadd.s32 $0x0, s16  }
0x33: {  	s17 =	simm.s32 $0x4;
	s18 =	sadd.s32 $0x40, s18;
	s14 =	sor.u32 $0x4000, s31;
	[tilespmem:s15+$0x1830 ss:$0x81] =	vst.msk $0xffff, v3  }
.LBB1_3:
0x34: {  	v3 =	vld [tilespmem:s18+$0x10];
	p1 =	sne.s32 s17, $0x1FC;
	[tilespmem:s15+$0x810 ss:$0x81] =	vst.msk $0xffff, v2;
	s19 =	smov.u32 s17;
	s17 =	sadd.s32 $0x4, s17  }
.Ltmp3:
0x35: {  	v2 =	vld [tilespmem:s18+$0xFFFFFFF0];
	[tilespmem:s15+$0x1020 ss:$0x81] =	vst.msk $0xffff, v0;
	(pc) =	sbr.rel @p1 .LBB1_3-.Ltmp3, $4  }
0x36: {  	v0 =	vld [tilespmem:s18+$0x0];
	[tilespmem:s15+$0x0 ss:$0x81] =	vst.msk $0xffff, v1  }
0x37: {  	s15 =	sshra.s32 s19, $0x2;
	v1 =	vld [tilespmem:s18+$0xFFFFFFE0]  }
0x38: {  	s15 =	sadd.s32 s15, s16  }
0x39: {  	s18 =	sadd.s32 $0x40, s18;
	[tilespmem:s15+$0x1830 ss:$0x81] =	vst.msk $0xffff, v3  }
.Ltmp4:
0x3a: {  	_ = 	snop;
	(pc) =	sbr.rel .LBB1_4-.Ltmp4, $1  }
0x3b: {  	_ =	sdelay $0x3  }
.LBB1_6:
0x3c: {  	_ =	sfence.sel $0x180000  }
0x3d: {  	s2 =	simm.s32 $0x1;
	[bflag:$0x0] =	sbarrier.arrive $0xFFFF  }
0x3e: {  	s31 =	simm.s32 $0x2;
	[sflag:s2] =	ssyncpa.u1 $0x1  }
0x3f: {  	[sflag:s31] =	ssyncpa.u1 $0x1  }
0x40: {  	p0 =	sne.s32 s0, $0x0;
	_ =	strace $0x9000004D  }
0x41: {  	s0 =	sadd.s32 @!p0 $0x100000, s1;
	[bflag:$0x2] =	sbarrier.arrive $0xFFFF  }
0x42: {  	[sflag:s0] =	ssyncadd.tile.s32 @!p0 $0x1;
	_ =	shalt  }
.Lfunc_end1:
_tile_overlayer_lowered:
.L_overlay_start_2:
0x43: {  	(tag) =	ssettag $0x2  }
0x44: {  	s0 =	rddreg [dreg:$0x0];
	s2 =	stileid.u32  }
0x45: {  	s1 =	rddreg [dreg:$0x1];
	p0 =	sne.s32 s2, $0x0  }
0x46: {  	s3 =	rddreg [dreg:$0x2];
	[bflag:$0x3] =	sbarrier.arrive $0xFFFF;
	s2 =	simm.s32 @!p0 $0x1C01  }
0x47: {  	[timem:s3], [sflag:s2] =	dma.local @!p0 [hbm:s0], s1  }
0x48: {  	s0 =	simm.s32 @!p0 $0x1  }
0x49: {  	_ =	swait.ge @!p0 [sflag:s0], s1  }
0x4a: {  	s1 =	ssub.s32 @!p0 $0x0, s1;
	[sflag:s0] =	ssyncset.done @!p0 $0x0  }
0x4b: {  	[sflag:s0] =	ssyncadd.s32 @!p0 s1  }
0x4c: {  	[bflag:$0x3] =	sbarrier.arrive $0xFFFF  }
0x4d: {  	_ =	shalt  }

</sc_bundles>
